<compile_context>
chip_gen: v7x
topology: tpu7x:2x2x1
jax: 0.10.2.dev20260603
libtpu: 0.0.44.dev20260713+nightly
codegen_flags: <defaults>
</compile_context>

<pallas_src>
import functools

import jax
import jax.numpy as jnp
from jax import lax
from jax.experimental import pallas as pl
from jax.experimental.pallas import tpu as pltpu
from jax.experimental.pallas import tpu_sc as plsc

BATCH = 4096
MAXLEN = 200
EMB = 32
LABELS = 4
VOCAB = 1000000

NC = 2
NS = 16
NW = NC * NS
BPW = BATCH // NW
CH = 100
CPS = MAXLEN // CH
NCHUNK = BPW * CPS
NBUF = 4
NGROUP = NCHUNK // NBUF


def _tc_detile_pad(table):
    tableT = table.T
    C = 8192
    nblk = (VOCAB + C - 1) // C
    eye = jnp.eye(EMB, dtype=jnp.float32)

    def body(t_ref, eye_ref, o_ref):
        tt = lax.dot_general(
            t_ref[...], eye_ref[...], (((0,), (0,)), ((), ())),
            preferred_element_type=jnp.float32,
        )
        o_ref[:, 0:EMB] = tt

    return pl.pallas_call(
        body,
        grid=(nblk,),
        in_specs=[
            pl.BlockSpec((EMB, C), lambda i: (0, i)),
            pl.BlockSpec((EMB, EMB), lambda i: (0, 0)),
        ],
        out_specs=pl.BlockSpec((C, 128), lambda i: (i, 0)),
        out_shape=jax.ShapeDtypeStruct((VOCAB, 128), jnp.float32),
    )(tableT, eye)


def _sc_pool(x2d, table):
    mesh = plsc.VectorSubcoreMesh(core_axis_name="c", subcore_axis_name="s")

    @functools.partial(
        pl.kernel,
        mesh=mesh,
        compiler_params=pltpu.CompilerParams(use_tc_tiling_on_sc=False),
        out_type=jax.ShapeDtypeStruct((BATCH, EMB), jnp.float32),
        scratch_types=[
            pltpu.VMEM((NCHUNK, CH), jnp.int32),
            pltpu.VMEM((NBUF, CH, EMB), jnp.float32),
            pltpu.VMEM((BPW, EMB), jnp.float32),
            pltpu.SemaphoreType.DMA,
            pltpu.SemaphoreType.DMA,
            pltpu.SemaphoreType.DMA,
            pltpu.SemaphoreType.DMA,
        ],
    )
    def k(x_hbm, table_hbm, out_hbm, idx_v, rows_v, acc_v, s0, s1, s2, s3):
        sems = (s0, s1, s2, s3)
        wid = lax.axis_index("s") * NC + lax.axis_index("c")
        pltpu.sync_copy(x_hbm.at[pl.ds(wid * NCHUNK, NCHUNK)], idx_v)

        def start(ci, b):
            pltpu.async_copy(table_hbm.at[idx_v.at[ci]], rows_v.at[b], sems[b])

        for b in range(NBUF):
            start(b, b)

        def group(g, carry):
            for sl in range(2):
                i = g * 2 + sl
                a0 = jnp.zeros((16,), jnp.float32)
                a1 = jnp.zeros((16,), jnp.float32)
                for j in range(CPS):
                    b = sl * CPS + j
                    ci = g * NBUF + b
                    pltpu.make_async_copy(
                        table_hbm.at[idx_v.at[ci]], rows_v.at[b], sems[b]
                    ).wait()

                    def rbody(rr, c, _b=b):
                        c0, c1, c2, c3 = c
                        r = rr * 5
                        c0 = c0 + rows_v[_b, r, pl.ds(0, 16)]
                        c1 = c1 + rows_v[_b, r, pl.ds(16, 16)]
                        c2 = c2 + rows_v[_b, r + 1, pl.ds(0, 16)]
                        c3 = c3 + rows_v[_b, r + 1, pl.ds(16, 16)]
                        c0 = c0 + rows_v[_b, r + 2, pl.ds(0, 16)]
                        c1 = c1 + rows_v[_b, r + 2, pl.ds(16, 16)]
                        c2 = c2 + rows_v[_b, r + 3, pl.ds(0, 16)]
                        c3 = c3 + rows_v[_b, r + 3, pl.ds(16, 16)]
                        c0 = c0 + rows_v[_b, r + 4, pl.ds(0, 16)]
                        c1 = c1 + rows_v[_b, r + 4, pl.ds(16, 16)]
                        return (c0, c1, c2, c3)

                    z = jnp.zeros((16,), jnp.float32)
                    a0, a1, a2, a3 = lax.fori_loop(
                        0, CH // 5, rbody, (a0, a1, z, z))
                    a0 = a0 + a2
                    a1 = a1 + a3

                    nci = ci + NBUF

                    @pl.when(nci < NCHUNK)
                    def _(nci=nci, b=b):
                        start(nci, b)

                acc_v[i, pl.ds(0, 16)] = a0
                acc_v[i, pl.ds(16, 16)] = a1
            return carry

        lax.fori_loop(0, NGROUP, group, 0)
        pltpu.sync_copy(acc_v, out_hbm.at[pl.ds(wid * BPW, BPW)])

    return k(x2d, table)


def _tc_classify(pooled_sum, W, b2d):

    def body(p_ref, w_ref, b_ref, o_ref):
        acc = lax.dot_general(
            p_ref[...], w_ref[...], (((1,), (1,)), ((), ())),
            preferred_element_type=jnp.float32,
        )
        o_ref[...] = acc * (1.0 / MAXLEN) + b_ref[...]

    return pl.pallas_call(
        body,
        out_shape=jax.ShapeDtypeStruct((BATCH, LABELS), jnp.float32),
    )(pooled_sum, W, b2d)


def kernel(x, table, W, b):
    x2d = (x.reshape(BATCH * CPS, CH) * 4).astype(jnp.int32)
    table_lin = _tc_detile_pad(table).reshape(4 * VOCAB, EMB)
    pooled_sum = _sc_pool(x2d, table_lin)
    return _tc_classify(pooled_sum, W, b.reshape(1, LABELS))

# --- scband reference (transcript-rebuilt; emitter-appended) ---
"""Pipeline reference for scband-fasttext-53893249630534 (READ-ONLY COPY).

The authoritative reference and input builder live on the scoring server;
editing this copy changes nothing except your own understanding.
"""

import jax, jax.numpy as jnp
import numpy as np

VOCAB = 1000000
EMB = 32
MAXLEN = 200
LABELS = 4
BATCH = 4096

def setup_inputs(seed: int = 0) -> dict:
    key = jax.random.key(seed)
    k1, k2, k3, k4 = jax.random.split(key, 4)
    x = jax.random.randint(k1, (BATCH, MAXLEN), 0, VOCAB, dtype=jnp.int64) if jax.config.jax_enable_x64 else jax.random.randint(k1, (BATCH, MAXLEN), 0, VOCAB, dtype=jnp.int32)
    table = jax.random.normal(k2, (VOCAB, EMB), dtype=jnp.float32) * 0.02
    W = jax.random.normal(k3, (LABELS, EMB), dtype=jnp.float32) * (1.0 / np.sqrt(EMB))
    b = jnp.zeros((LABELS,), dtype=jnp.float32)
    return {"x": x, "table": table, "W": W, "b": b}

def reference(x, table, W, b):
    # nn.Embedding lookup -> [B, L, D]
    emb = jnp.take(table, x, axis=0)
    # transpose(1,2) + AvgPool1d(kernel=L) + squeeze == mean over sequence dim -> [B, D]
    pooled = jnp.mean(emb, axis=1)
    # fc: Linear(D, label_num)
    out = pooled @ W.T + b
    return out

if __name__ == "__main__":
    import jax
    _d = setup_inputs()
    print(jax.jit(kernel)(*tuple(_d.values())))

</pallas_src>

<mosaic_0001>
#map = affine_map<(d0, d1) -> (0, 0)>
module attributes {stable_mosaic.version = 14 : i64} {
  func.func @k(%arg0: i32, %arg1: i32, %arg2: memref<8192x100xi32, #tpu.memory_space<hbm>>, %arg3: memref<4000000x32xf32, #tpu.memory_space<hbm>>, %arg4: memref<4096x32xf32, #tpu.memory_space<hbm>>, %arg5: memref<256x100xi32, #tpu.memory_space<vmem>>, %arg6: memref<4x100x32xf32, #tpu.memory_space<vmem>>, %arg7: memref<128x32xf32, #tpu.memory_space<vmem>>, %arg8: memref<!tpu.dma_semaphore, #tpu.memory_space<semaphore_mem>>, %arg9: memref<!tpu.dma_semaphore, #tpu.memory_space<semaphore_mem>>, %arg10: memref<!tpu.dma_semaphore, #tpu.memory_space<semaphore_mem>>, %arg11: memref<!tpu.dma_semaphore, #tpu.memory_space<semaphore_mem>>) attributes {dimension_semantics = [#tpu.dimension_semantics<core_parallel>, #tpu.dimension_semantics<subcore_parallel>], iteration_bounds = array<i64: 2, 16>, scalar_prefetch = 0 : i64, scratch_operands = 7 : i64, tpu.core_type = #tpu.core_type<sc_vector_subcore>, window_params = [{transform_indices = #map}, {transform_indices = #map}, {transform_indices = #map}]} {
    %mul3A = arith.constant 2 : i32
    %mul3A_0 = arith.muli %arg1, %mul3A : i32
    %add3A = arith.addi %mul3A_0, %arg0 : i32
    %mul3A_1 = arith.constant 256 : i32
    %mul3A_2 = arith.muli %add3A, %mul3A_1 : i32
    "tpu.region"() ({
      %run_scoped3A = tpu.sem_alloc : memref<!tpu.dma_semaphore, #tpu.memory_space<semaphore_mem>>
      %dma_start3A_57 = arith.constant 0 : i32
      %dma_start3A_58 = tpu.memref_slice %arg2[%mul3A_2, %dma_start3A_57] : memref<8192x100xi32, #tpu.memory_space<hbm>> -> memref<256x100xi32, #tpu.memory_space<hbm>>
      %dma_start3A_59 = arith.constant 0 : i32
      %dma_start3A_60 = tpu.memref_slice %arg2[%mul3A_2, %dma_start3A_59] : memref<8192x100xi32, #tpu.memory_space<hbm>> -> memref<256x100xi32, #tpu.memory_space<hbm>>
      tpu.enqueue_dma source(%dma_start3A_60 : memref<256x100xi32, #tpu.memory_space<hbm>>) target(%arg5 : memref<256x100xi32, #tpu.memory_space<vmem>>) target_semaphore(%run_scoped3A : memref<!tpu.dma_semaphore, #tpu.memory_space<semaphore_mem>>)
      %dma_wait3A = arith.constant 0 : i32
      %dma_wait3A_61 = tpu.memref_slice %arg2[%mul3A_2, %dma_wait3A] : memref<8192x100xi32, #tpu.memory_space<hbm>> -> memref<256x100xi32, #tpu.memory_space<hbm>>
      %dma_wait3A_62 = arith.constant 0 : i32
      %dma_wait3A_63 = tpu.memref_slice %arg2[%mul3A_2, %dma_wait3A_62] : memref<8192x100xi32, #tpu.memory_space<hbm>> -> memref<256x100xi32, #tpu.memory_space<hbm>>
      tpu.wait_dma2 semaphore(%run_scoped3A : memref<!tpu.dma_semaphore, #tpu.memory_space<semaphore_mem>>) src(%dma_wait3A_63 : memref<256x100xi32, #tpu.memory_space<hbm>>) dst(%arg5 : memref<256x100xi32, #tpu.memory_space<vmem>>)
      tpu.yield
    }) : () -> ()
    %dma_start3A = arith.constant 0 : i32
    %dma_start3A_3 = arith.constant 0 : i32
    %dma_start3A_4 = arith.constant 0 : i32
    %dma_start3A_5 = arith.constant 0 : i32
    %dma_start3A_6 = tpu.memref_slice %arg6[%dma_start3A_3, %dma_start3A_4, %dma_start3A_5] : memref<4x100x32xf32, #tpu.memory_space<vmem>> -> memref<1x100x32xf32, #tpu.memory_space<vmem>>
    %dma_start3A_7 = tpu.memref_squeeze %dma_start3A_6 : memref<1x100x32xf32, #tpu.memory_space<vmem>> -> memref<100x32xf32, #tpu.memory_space<vmem>>
    %dma_start3A_8 = arith.constant 0 : i32
    %dma_start3A_9 = tpu.memref_slice %arg5[%dma_start3A, %dma_start3A_8] : memref<256x100xi32, #tpu.memory_space<vmem>> -> memref<1x100xi32, #tpu.memory_space<vmem>>
    %dma_start3A_10 = tpu.memref_squeeze %dma_start3A_9 : memref<1x100xi32, #tpu.memory_space<vmem>> -> memref<100xi32, #tpu.memory_space<vmem>>
    %dma_start3A_11 = arith.constant 0 : i32
    %dma_start3A_12 = arith.constant 0 : i32
    %dma_start3A_13 = tpu.memref_slice %arg3[%dma_start3A_11, %dma_start3A_12] : memref<4000000x32xf32, #tpu.memory_space<hbm>> -> memref<4000000x32xf32, #tpu.memory_space<hbm>>
    tpu.enqueue_indirect_dma source(%dma_start3A_13 : memref<4000000x32xf32, #tpu.memory_space<hbm>>) target(%dma_start3A_7 : memref<100x32xf32, #tpu.memory_space<vmem>>) offsets(%dma_start3A_10 : memref<100xi32, #tpu.memory_space<vmem>>) semaphore(%arg8 : memref<!tpu.dma_semaphore, #tpu.memory_space<semaphore_mem>>)
    %dma_start3A_14 = arith.constant 1 : i32
    %dma_start3A_15 = arith.constant 1 : i32
    %dma_start3A_16 = arith.constant 0 : i32
    %dma_start3A_17 = arith.constant 0 : i32
    %dma_start3A_18 = tpu.memref_slice %arg6[%dma_start3A_15, %dma_start3A_16, %dma_start3A_17] : memref<4x100x32xf32, #tpu.memory_space<vmem>> -> memref<1x100x32xf32, #tpu.memory_space<vmem>>
    %dma_start3A_19 = tpu.memref_squeeze %dma_start3A_18 : memref<1x100x32xf32, #tpu.memory_space<vmem>> -> memref<100x32xf32, #tpu.memory_space<vmem>>
    %dma_start3A_20 = arith.constant 0 : i32
    %dma_start3A_21 = tpu.memref_slice %arg5[%dma_start3A_14, %dma_start3A_20] : memref<256x100xi32, #tpu.memory_space<vmem>> -> memref<1x100xi32, #tpu.memory_space<vmem>>
    %dma_start3A_22 = tpu.memref_squeeze %dma_start3A_21 : memref<1x100xi32, #tpu.memory_space<vmem>> -> memref<100xi32, #tpu.memory_space<vmem>>
    %dma_start3A_23 = arith.constant 0 : i32
    %dma_start3A_24 = arith.constant 0 : i32
    %dma_start3A_25 = tpu.memref_slice %arg3[%dma_start3A_23, %dma_start3A_24] : memref<4000000x32xf32, #tpu.memory_space<hbm>> -> memref<4000000x32xf32, #tpu.memory_space<hbm>>
    tpu.enqueue_indirect_dma source(%dma_start3A_25 : memref<4000000x32xf32, #tpu.memory_space<hbm>>) target(%dma_start3A_19 : memref<100x32xf32, #tpu.memory_space<vmem>>) offsets(%dma_start3A_22 : memref<100xi32, #tpu.memory_space<vmem>>) semaphore(%arg9 : memref<!tpu.dma_semaphore, #tpu.memory_space<semaphore_mem>>)
    %dma_start3A_26 = arith.constant 2 : i32
    %dma_start3A_27 = arith.constant 2 : i32
    %dma_start3A_28 = arith.constant 0 : i32
    %dma_start3A_29 = arith.constant 0 : i32
    %dma_start3A_30 = tpu.memref_slice %arg6[%dma_start3A_27, %dma_start3A_28, %dma_start3A_29] : memref<4x100x32xf32, #tpu.memory_space<vmem>> -> memref<1x100x32xf32, #tpu.memory_space<vmem>>
    %dma_start3A_31 = tpu.memref_squeeze %dma_start3A_30 : memref<1x100x32xf32, #tpu.memory_space<vmem>> -> memref<100x32xf32, #tpu.memory_space<vmem>>
    %dma_start3A_32 = arith.constant 0 : i32
    %dma_start3A_33 = tpu.memref_slice %arg5[%dma_start3A_26, %dma_start3A_32] : memref<256x100xi32, #tpu.memory_space<vmem>> -> memref<1x100xi32, #tpu.memory_space<vmem>>
    %dma_start3A_34 = tpu.memref_squeeze %dma_start3A_33 : memref<1x100xi32, #tpu.memory_space<vmem>> -> memref<100xi32, #tpu.memory_space<vmem>>
    %dma_start3A_35 = arith.constant 0 : i32
    %dma_start3A_36 = arith.constant 0 : i32
    %dma_start3A_37 = tpu.memref_slice %arg3[%dma_start3A_35, %dma_start3A_36] : memref<4000000x32xf32, #tpu.memory_space<hbm>> -> memref<4000000x32xf32, #tpu.memory_space<hbm>>
    tpu.enqueue_indirect_dma source(%dma_start3A_37 : memref<4000000x32xf32, #tpu.memory_space<hbm>>) target(%dma_start3A_31 : memref<100x32xf32, #tpu.memory_space<vmem>>) offsets(%dma_start3A_34 : memref<100xi32, #tpu.memory_space<vmem>>) semaphore(%arg10 : memref<!tpu.dma_semaphore, #tpu.memory_space<semaphore_mem>>)
    %dma_start3A_38 = arith.constant 3 : i32
    %dma_start3A_39 = arith.constant 3 : i32
    %dma_start3A_40 = arith.constant 0 : i32
    %dma_start3A_41 = arith.constant 0 : i32
    %dma_start3A_42 = tpu.memref_slice %arg6[%dma_start3A_39, %dma_start3A_40, %dma_start3A_41] : memref<4x100x32xf32, #tpu.memory_space<vmem>> -> memref<1x100x32xf32, #tpu.memory_space<vmem>>
    %dma_start3A_43 = tpu.memref_squeeze %dma_start3A_42 : memref<1x100x32xf32, #tpu.memory_space<vmem>> -> memref<100x32xf32, #tpu.memory_space<vmem>>
    %dma_start3A_44 = arith.constant 0 : i32
    %dma_start3A_45 = tpu.memref_slice %arg5[%dma_start3A_38, %dma_start3A_44] : memref<256x100xi32, #tpu.memory_space<vmem>> -> memref<1x100xi32, #tpu.memory_space<vmem>>
    %dma_start3A_46 = tpu.memref_squeeze %dma_start3A_45 : memref<1x100xi32, #tpu.memory_space<vmem>> -> memref<100xi32, #tpu.memory_space<vmem>>
    %dma_start3A_47 = arith.constant 0 : i32
    %dma_start3A_48 = arith.constant 0 : i32
    %dma_start3A_49 = tpu.memref_slice %arg3[%dma_start3A_47, %dma_start3A_48] : memref<4000000x32xf32, #tpu.memory_space<hbm>> -> memref<4000000x32xf32, #tpu.memory_space<hbm>>
    tpu.enqueue_indirect_dma source(%dma_start3A_49 : memref<4000000x32xf32, #tpu.memory_space<hbm>>) target(%dma_start3A_43 : memref<100x32xf32, #tpu.memory_space<vmem>>) offsets(%dma_start3A_46 : memref<100xi32, #tpu.memory_space<vmem>>) semaphore(%arg11 : memref<!tpu.dma_semaphore, #tpu.memory_space<semaphore_mem>>)
    %scan3A = arith.constant 0 : i32
    %scan3A_50 = arith.constant 0 : i32
    %scan3A_51 = arith.constant 64 : i32
    %scan3A_52 = arith.addi %scan3A_50, %scan3A_51 : i32
    %scan3A_53 = arith.constant 1 : i32
    scf.for %scan3A_57 = %scan3A_50 to %scan3A_52 step %scan3A_53  : i32 {
      %mul3A_58 = arith.constant 2 : i32
      %mul3A_59 = arith.muli %scan3A_57, %mul3A_58 : i32
      %add3A_60 = arith.constant 0 : i32
      %add3A_61 = arith.addi %mul3A_59, %add3A_60 : i32
      %broadcast_in_dim3A = arith.constant 0.000000e+00 : f32
      %broadcast_in_dim3A_62 = vector.broadcast %broadcast_in_dim3A : f32 to vector<16xf32>
      %broadcast_in_dim3A_63 = arith.constant 0.000000e+00 : f32
      %broadcast_in_dim3A_64 = vector.broadcast %broadcast_in_dim3A_63 : f32 to vector<16xf32>
      %mul3A_65 = arith.constant 4 : i32
      %mul3A_66 = arith.muli %scan3A_57, %mul3A_65 : i32
      %add3A_67 = arith.constant 0 : i32
      %add3A_68 = arith.addi %mul3A_66, %add3A_67 : i32
      %dma_wait3A = arith.constant 0 : i32
      %dma_wait3A_69 = arith.constant 0 : i32
      %dma_wait3A_70 = arith.constant 0 : i32
      %dma_wait3A_71 = tpu.memref_slice %arg6[%dma_wait3A, %dma_wait3A_69, %dma_wait3A_70] : memref<4x100x32xf32, #tpu.memory_space<vmem>> -> memref<1x100x32xf32, #tpu.memory_space<vmem>>
      %dma_wait3A_72 = tpu.memref_squeeze %dma_wait3A_71 : memref<1x100x32xf32, #tpu.memory_space<vmem>> -> memref<100x32xf32, #tpu.memory_space<vmem>>
      %dma_wait3A_73 = arith.constant 0 : i32
      %dma_wait3A_74 = tpu.memref_slice %arg5[%add3A_68, %dma_wait3A_73] : memref<256x100xi32, #tpu.memory_space<vmem>> -> memref<1x100xi32, #tpu.memory_space<vmem>>
      %dma_wait3A_75 = tpu.memref_squeeze %dma_wait3A_74 : memref<1x100xi32, #tpu.memory_space<vmem>> -> memref<100xi32, #tpu.memory_space<vmem>>
      %dma_wait3A_76 = arith.constant 0 : i32
      %dma_wait3A_77 = arith.constant 0 : i32
      %dma_wait3A_78 = tpu.memref_slice %arg3[%dma_wait3A_76, %dma_wait3A_77] : memref<4000000x32xf32, #tpu.memory_space<hbm>> -> memref<4000000x32xf32, #tpu.memory_space<hbm>>
      tpu.wait_indirect_dma semaphore(%arg8 : memref<!tpu.dma_semaphore, #tpu.memory_space<semaphore_mem>>) src(%dma_wait3A_78 : memref<4000000x32xf32, #tpu.memory_space<hbm>>) dst(%dma_wait3A_72 : memref<100x32xf32, #tpu.memory_space<vmem>>)
      %broadcast_in_dim3A_79 = arith.constant 0.000000e+00 : f32
      %broadcast_in_dim3A_80 = vector.broadcast %broadcast_in_dim3A_79 : f32 to vector<16xf32>
      %scan3A_81 = arith.constant 0 : i32
      %scan3A_82 = arith.constant 20 : i32
      %scan3A_83 = arith.addi %scan3A_81, %scan3A_82 : i32
      %scan3A_84 = arith.constant 1 : i32
      %scan3A_85:4 = scf.for %scan3A_216 = %scan3A_81 to %scan3A_83 step %scan3A_84 iter_args(%scan3A_217 = %broadcast_in_dim3A_62, %scan3A_218 = %broadcast_in_dim3A_64, %scan3A_219 = %broadcast_in_dim3A_80, %scan3A_220 = %broadcast_in_dim3A_80) -> (vector<16xf32>, vector<16xf32>, vector<16xf32>, vector<16xf32>)  : i32 {
        %mul3A_221 = arith.constant 5 : i32
        %mul3A_222 = arith.muli %scan3A_216, %mul3A_221 : i32
        %get3A = arith.constant 0 : i32
        %get3A_223 = arith.index_cast %get3A : i32 to index
        %get3A_224 = arith.index_cast %mul3A_222 : i32 to index
        %get3A_225 = arith.constant 0 : index
        %get3A_226 = tpu.vector_load %arg6[%get3A_223, %get3A_224, %get3A_225] {strides = array<i32>} : memref<4x100x32xf32, #tpu.memory_space<vmem>>, vector<1x1x16xf32>,
        %get3A_227 = vector.shape_cast %get3A_226 : vector<1x1x16xf32> to vector<16xf32>
        %add3A_228 = arith.addf %scan3A_217, %get3A_227 : vector<16xf32>
        %get3A_229 = arith.constant 0 : i32
        %get3A_230 = arith.index_cast %get3A_229 : i32 to index
        %get3A_231 = arith.index_cast %mul3A_222 : i32 to index
        %get3A_232 = arith.constant 16 : index
        %get3A_233 = tpu.vector_load %arg6[%get3A_230, %get3A_231, %get3A_232] {strides = array<i32>} : memref<4x100x32xf32, #tpu.memory_space<vmem>>, vector<1x1x16xf32>,
        %get3A_234 = vector.shape_cast %get3A_233 : vector<1x1x16xf32> to vector<16xf32>
        %add3A_235 = arith.addf %scan3A_218, %get3A_234 : vector<16xf32>
        %add3A_236 = arith.constant 1 : i32
        %add3A_237 = arith.addi %mul3A_222, %add3A_236 : i32
        %get3A_238 = arith.constant 0 : i32
        %get3A_239 = arith.index_cast %get3A_238 : i32 to index
        %get3A_240 = arith.index_cast %add3A_237 : i32 to index
        %get3A_241 = arith.constant 0 : index
        %get3A_242 = tpu.vector_load %arg6[%get3A_239, %get3A_240, %get3A_241] {strides = array<i32>} : memref<4x100x32xf32, #tpu.memory_space<vmem>>, vector<1x1x16xf32>,
        %get3A_243 = vector.shape_cast %get3A_242 : vector<1x1x16xf32> to vector<16xf32>
        %add3A_244 = arith.addf %scan3A_219, %get3A_243 : vector<16xf32>
        %add3A_245 = arith.constant 1 : i32
        %add3A_246 = arith.addi %mul3A_222, %add3A_245 : i32
        %get3A_247 = arith.constant 0 : i32
        %get3A_248 = arith.index_cast %get3A_247 : i32 to index
        %get3A_249 = arith.index_cast %add3A_246 : i32 to index
        %get3A_250 = arith.constant 16 : index
        %get3A_251 = tpu.vector_load %arg6[%get3A_248, %get3A_249, %get3A_250] {strides = array<i32>} : memref<4x100x32xf32, #tpu.memory_space<vmem>>, vector<1x1x16xf32>,
        %get3A_252 = vector.shape_cast %get3A_251 : vector<1x1x16xf32> to vector<16xf32>
        %add3A_253 = arith.addf %scan3A_220, %get3A_252 : vector<16xf32>
        %add3A_254 = arith.constant 2 : i32
        %add3A_255 = arith.addi %mul3A_222, %add3A_254 : i32
        %get3A_256 = arith.constant 0 : i32
        %get3A_257 = arith.index_cast %get3A_256 : i32 to index
        %get3A_258 = arith.index_cast %add3A_255 : i32 to index
        %get3A_259 = arith.constant 0 : index
        %get3A_260 = tpu.vector_load %arg6[%get3A_257, %get3A_258, %get3A_259] {strides = array<i32>} : memref<4x100x32xf32, #tpu.memory_space<vmem>>, vector<1x1x16xf32>,
        %get3A_261 = vector.shape_cast %get3A_260 : vector<1x1x16xf32> to vector<16xf32>
        %add3A_262 = arith.addf %add3A_228, %get3A_261 : vector<16xf32>
        %add3A_263 = arith.constant 2 : i32
        %add3A_264 = arith.addi %mul3A_222, %add3A_263 : i32
        %get3A_265 = arith.constant 0 : i32
        %get3A_266 = arith.index_cast %get3A_265 : i32 to index
        %get3A_267 = arith.index_cast %add3A_264 : i32 to index
        %get3A_268 = arith.constant 16 : index
        %get3A_269 = tpu.vector_load %arg6[%get3A_266, %get3A_267, %get3A_268] {strides = array<i32>} : memref<4x100x32xf32, #tpu.memory_space<vmem>>, vector<1x1x16xf32>,
        %get3A_270 = vector.shape_cast %get3A_269 : vector<1x1x16xf32> to vector<16xf32>
        %add3A_271 = arith.addf %add3A_235, %get3A_270 : vector<16xf32>
        %add3A_272 = arith.constant 3 : i32
        %add3A_273 = arith.addi %mul3A_222, %add3A_272 : i32
        %get3A_274 = arith.constant 0 : i32
        %get3A_275 = arith.index_cast %get3A_274 : i32 to index
        %get3A_276 = arith.index_cast %add3A_273 : i32 to index
        %get3A_277 = arith.constant 0 : index
        %get3A_278 = tpu.vector_load %arg6[%get3A_275, %get3A_276, %get3A_277] {strides = array<i32>} : memref<4x100x32xf32, #tpu.memory_space<vmem>>, vector<1x1x16xf32>,
        %get3A_279 = vector.shape_cast %get3A_278 : vector<1x1x16xf32> to vector<16xf32>
        %add3A_280 = arith.addf %add3A_244, %get3A_279 : vector<16xf32>
        %add3A_281 = arith.constant 3 : i32
        %add3A_282 = arith.addi %mul3A_222, %add3A_281 : i32
        %get3A_283 = arith.constant 0 : i32
        %get3A_284 = arith.index_cast %get3A_283 : i32 to index
        %get3A_285 = arith.index_cast %add3A_282 : i32 to index
        %get3A_286 = arith.constant 16 : index
        %get3A_287 = tpu.vector_load %arg6[%get3A_284, %get3A_285, %get3A_286] {strides = array<i32>} : memref<4x100x32xf32, #tpu.memory_space<vmem>>, vector<1x1x16xf32>,
        %get3A_288 = vector.shape_cast %get3A_287 : vector<1x1x16xf32> to vector<16xf32>
        %add3A_289 = arith.addf %add3A_253, %get3A_288 : vector<16xf32>
        %add3A_290 = arith.constant 4 : i32
        %add3A_291 = arith.addi %mul3A_222, %add3A_290 : i32
        %get3A_292 = arith.constant 0 : i32
        %get3A_293 = arith.index_cast %get3A_292 : i32 to index
        %get3A_294 = arith.index_cast %add3A_291 : i32 to index
        %get3A_295 = arith.constant 0 : index
        %get3A_296 = tpu.vector_load %arg6[%get3A_293, %get3A_294, %get3A_295] {strides = array<i32>} : memref<4x100x32xf32, #tpu.memory_space<vmem>>, vector<1x1x16xf32>,
        %get3A_297 = vector.shape_cast %get3A_296 : vector<1x1x16xf32> to vector<16xf32>
        %add3A_298 = arith.addf %add3A_262, %get3A_297 : vector<16xf32>
        %add3A_299 = arith.constant 4 : i32
        %add3A_300 = arith.addi %mul3A_222, %add3A_299 : i32
        %get3A_301 = arith.constant 0 : i32
        %get3A_302 = arith.index_cast %get3A_301 : i32 to index
        %get3A_303 = arith.index_cast %add3A_300 : i32 to index
        %get3A_304 = arith.constant 16 : index
        %get3A_305 = tpu.vector_load %arg6[%get3A_302, %get3A_303, %get3A_304] {strides = array<i32>} : memref<4x100x32xf32, #tpu.memory_space<vmem>>, vector<1x1x16xf32>,
        %get3A_306 = vector.shape_cast %get3A_305 : vector<1x1x16xf32> to vector<16xf32>
        %add3A_307 = arith.addf %add3A_271, %get3A_306 : vector<16xf32>
        scf.yield %add3A_298, %add3A_307, %add3A_280, %add3A_289 : vector<16xf32>, vector<16xf32>, vector<16xf32>, vector<16xf32>
      }
      %scan3A_86 = arith.constant 20 : i32
      %add3A_87 = arith.addf %scan3A_85#0, %scan3A_85#2 : vector<16xf32>
      %add3A_88 = arith.addf %scan3A_85#1, %scan3A_85#3 : vector<16xf32>
      %add3A_89 = arith.constant 4 : i32
      %add3A_90 = arith.addi %add3A_68, %add3A_89 : i32
      %lt3A = arith.constant 256 : i32
      %lt3A_91 = arith.cmpi slt, %add3A_90, %lt3A : i32
      %convert_element_type3A = arith.extui %lt3A_91 : i1 to i32
      %cond3A = arith.constant 0 : i32
      %cond3A_92 = arith.cmpi ne, %convert_element_type3A, %cond3A : i32
      scf.if %cond3A_92 {
        %dma_start3A_216 = arith.constant 0 : i32
        %dma_start3A_217 = arith.constant 0 : i32
        %dma_start3A_218 = arith.constant 0 : i32
        %dma_start3A_219 = tpu.memref_slice %arg6[%dma_start3A_216, %dma_start3A_217, %dma_start3A_218] : memref<4x100x32xf32, #tpu.memory_space<vmem>> -> memref<1x100x32xf32, #tpu.memory_space<vmem>>
        %dma_start3A_220 = tpu.memref_squeeze %dma_start3A_219 : memref<1x100x32xf32, #tpu.memory_space<vmem>> -> memref<100x32xf32, #tpu.memory_space<vmem>>
        %dma_start3A_221 = arith.constant 0 : i32
        %dma_start3A_222 = tpu.memref_slice %arg5[%add3A_90, %dma_start3A_221] : memref<256x100xi32, #tpu.memory_space<vmem>> -> memref<1x100xi32, #tpu.memory_space<vmem>>
        %dma_start3A_223 = tpu.memref_squeeze %dma_start3A_222 : memref<1x100xi32, #tpu.memory_space<vmem>> -> memref<100xi32, #tpu.memory_space<vmem>>
        %dma_start3A_224 = arith.constant 0 : i32
        %dma_start3A_225 = arith.constant 0 : i32
        %dma_start3A_226 = tpu.memref_slice %arg3[%dma_start3A_224, %dma_start3A_225] : memref<4000000x32xf32, #tpu.memory_space<hbm>> -> memref<4000000x32xf32, #tpu.memory_space<hbm>>
        tpu.enqueue_indirect_dma source(%dma_start3A_226 : memref<4000000x32xf32, #tpu.memory_space<hbm>>) target(%dma_start3A_220 : memref<100x32xf32, #tpu.memory_space<vmem>>) offsets(%dma_start3A_223 : memref<100xi32, #tpu.memory_space<vmem>>) semaphore(%arg8 : memref<!tpu.dma_semaphore, #tpu.memory_space<semaphore_mem>>)
      } else {
      }
      %mul3A_93 = arith.constant 4 : i32
      %mul3A_94 = arith.muli %scan3A_57, %mul3A_93 : i32
      %add3A_95 = arith.constant 1 : i32
      %add3A_96 = arith.addi %mul3A_94, %add3A_95 : i32
      %dma_wait3A_97 = arith.constant 1 : i32
      %dma_wait3A_98 = arith.constant 0 : i32
      %dma_wait3A_99 = arith.constant 0 : i32
      %dma_wait3A_100 = tpu.memref_slice %arg6[%dma_wait3A_97, %dma_wait3A_98, %dma_wait3A_99] : memref<4x100x32xf32, #tpu.memory_space<vmem>> -> memref<1x100x32xf32, #tpu.memory_space<vmem>>
      %dma_wait3A_101 = tpu.memref_squeeze %dma_wait3A_100 : memref<1x100x32xf32, #tpu.memory_space<vmem>> -> memref<100x32xf32, #tpu.memory_space<vmem>>
      %dma_wait3A_102 = arith.constant 0 : i32
      %dma_wait3A_103 = tpu.memref_slice %arg5[%add3A_96, %dma_wait3A_102] : memref<256x100xi32, #tpu.memory_space<vmem>> -> memref<1x100xi32, #tpu.memory_space<vmem>>
      %dma_wait3A_104 = tpu.memref_squeeze %dma_wait3A_103 : memref<1x100xi32, #tpu.memory_space<vmem>> -> memref<100xi32, #tpu.memory_space<vmem>>
      %dma_wait3A_105 = arith.constant 0 : i32
      %dma_wait3A_106 = arith.constant 0 : i32
      %dma_wait3A_107 = tpu.memref_slice %arg3[%dma_wait3A_105, %dma_wait3A_106] : memref<4000000x32xf32, #tpu.memory_space<hbm>> -> memref<4000000x32xf32, #tpu.memory_space<hbm>>
      tpu.wait_indirect_dma semaphore(%arg9 : memref<!tpu.dma_semaphore, #tpu.memory_space<semaphore_mem>>) src(%dma_wait3A_107 : memref<4000000x32xf32, #tpu.memory_space<hbm>>) dst(%dma_wait3A_101 : memref<100x32xf32, #tpu.memory_space<vmem>>)
      %broadcast_in_dim3A_108 = arith.constant 0.000000e+00 : f32
      %broadcast_in_dim3A_109 = vector.broadcast %broadcast_in_dim3A_108 : f32 to vector<16xf32>
      %scan3A_110 = arith.constant 0 : i32
      %scan3A_111 = arith.constant 20 : i32
      %scan3A_112 = arith.addi %scan3A_110, %scan3A_111 : i32
      %scan3A_113 = arith.constant 1 : i32
      %scan3A_114:4 = scf.for %scan3A_216 = %scan3A_110 to %scan3A_112 step %scan3A_113 iter_args(%scan3A_217 = %add3A_87, %scan3A_218 = %add3A_88, %scan3A_219 = %broadcast_in_dim3A_109, %scan3A_220 = %broadcast_in_dim3A_109) -> (vector<16xf32>, vector<16xf32>, vector<16xf32>, vector<16xf32>)  : i32 {
        %mul3A_221 = arith.constant 5 : i32
        %mul3A_222 = arith.muli %scan3A_216, %mul3A_221 : i32
        %get3A = arith.constant 1 : i32
        %get3A_223 = arith.index_cast %get3A : i32 to index
        %get3A_224 = arith.index_cast %mul3A_222 : i32 to index
        %get3A_225 = arith.constant 0 : index
        %get3A_226 = tpu.vector_load %arg6[%get3A_223, %get3A_224, %get3A_225] {strides = array<i32>} : memref<4x100x32xf32, #tpu.memory_space<vmem>>, vector<1x1x16xf32>,
        %get3A_227 = vector.shape_cast %get3A_226 : vector<1x1x16xf32> to vector<16xf32>
        %add3A_228 = arith.addf %scan3A_217, %get3A_227 : vector<16xf32>
        %get3A_229 = arith.constant 1 : i32
        %get3A_230 = arith.index_cast %get3A_229 : i32 to index
        %get3A_231 = arith.index_cast %mul3A_222 : i32 to index
        %get3A_232 = arith.constant 16 : index
        %get3A_233 = tpu.vector_load %arg6[%get3A_230, %get3A_231, %get3A_232] {strides = array<i32>} : memref<4x100x32xf32, #tpu.memory_space<vmem>>, vector<1x1x16xf32>,
        %get3A_234 = vector.shape_cast %get3A_233 : vector<1x1x16xf32> to vector<16xf32>
        %add3A_235 = arith.addf %scan3A_218, %get3A_234 : vector<16xf32>
        %add3A_236 = arith.constant 1 : i32
        %add3A_237 = arith.addi %mul3A_222, %add3A_236 : i32
        %get3A_238 = arith.constant 1 : i32
        %get3A_239 = arith.index_cast %get3A_238 : i32 to index
        %get3A_240 = arith.index_cast %add3A_237 : i32 to index
        %get3A_241 = arith.constant 0 : index
        %get3A_242 = tpu.vector_load %arg6[%get3A_239, %get3A_240, %get3A_241] {strides = array<i32>} : memref<4x100x32xf32, #tpu.memory_space<vmem>>, vector<1x1x16xf32>,
        %get3A_243 = vector.shape_cast %get3A_242 : vector<1x1x16xf32> to vector<16xf32>
        %add3A_244 = arith.addf %scan3A_219, %get3A_243 : vector<16xf32>
        %add3A_245 = arith.constant 1 : i32
        %add3A_246 = arith.addi %mul3A_222, %add3A_245 : i32
        %get3A_247 = arith.constant 1 : i32
        %get3A_248 = arith.index_cast %get3A_247 : i32 to index
        %get3A_249 = arith.index_cast %add3A_246 : i32 to index
        %get3A_250 = arith.constant 16 : index
        %get3A_251 = tpu.vector_load %arg6[%get3A_248, %get3A_249, %get3A_250] {strides = array<i32>} : memref<4x100x32xf32, #tpu.memory_space<vmem>>, vector<1x1x16xf32>,
        %get3A_252 = vector.shape_cast %get3A_251 : vector<1x1x16xf32> to vector<16xf32>
        %add3A_253 = arith.addf %scan3A_220, %get3A_252 : vector<16xf32>
        %add3A_254 = arith.constant 2 : i32
        %add3A_255 = arith.addi %mul3A_222, %add3A_254 : i32
        %get3A_256 = arith.constant 1 : i32
        %get3A_257 = arith.index_cast %get3A_256 : i32 to index
        %get3A_258 = arith.index_cast %add3A_255 : i32 to index
        %get3A_259 = arith.constant 0 : index
        %get3A_260 = tpu.vector_load %arg6[%get3A_257, %get3A_258, %get3A_259] {strides = array<i32>} : memref<4x100x32xf32, #tpu.memory_space<vmem>>, vector<1x1x16xf32>,
        %get3A_261 = vector.shape_cast %get3A_260 : vector<1x1x16xf32> to vector<16xf32>
        %add3A_262 = arith.addf %add3A_228, %get3A_261 : vector<16xf32>
        %add3A_263 = arith.constant 2 : i32
        %add3A_264 = arith.addi %mul3A_222, %add3A_263 : i32
        %get3A_265 = arith.constant 1 : i32
        %get3A_266 = arith.index_cast %get3A_265 : i32 to index
        %get3A_267 = arith.index_cast %add3A_264 : i32 to index
        %get3A_268 = arith.constant 16 : index
        %get3A_269 = tpu.vector_load %arg6[%get3A_266, %get3A_267, %get3A_268] {strides = array<i32>} : memref<4x100x32xf32, #tpu.memory_space<vmem>>, vector<1x1x16xf32>,
        %get3A_270 = vector.shape_cast %get3A_269 : vector<1x1x16xf32> to vector<16xf32>
        %add3A_271 = arith.addf %add3A_235, %get3A_270 : vector<16xf32>
        %add3A_272 = arith.constant 3 : i32
        %add3A_273 = arith.addi %mul3A_222, %add3A_272 : i32
        %get3A_274 = arith.constant 1 : i32
        %get3A_275 = arith.index_cast %get3A_274 : i32 to index
        %get3A_276 = arith.index_cast %add3A_273 : i32 to index
        %get3A_277 = arith.constant 0 : index
        %get3A_278 = tpu.vector_load %arg6[%get3A_275, %get3A_276, %get3A_277] {strides = array<i32>} : memref<4x100x32xf32, #tpu.memory_space<vmem>>, vector<1x1x16xf32>,
        %get3A_279 = vector.shape_cast %get3A_278 : vector<1x1x16xf32> to vector<16xf32>
        %add3A_280 = arith.addf %add3A_244, %get3A_279 : vector<16xf32>
        %add3A_281 = arith.constant 3 : i32
        %add3A_282 = arith.addi %mul3A_222, %add3A_281 : i32
        %get3A_283 = arith.constant 1 : i32
        %get3A_284 = arith.index_cast %get3A_283 : i32 to index
        %get3A_285 = arith.index_cast %add3A_282 : i32 to index
        %get3A_286 = arith.constant 16 : index
        %get3A_287 = tpu.vector_load %arg6[%get3A_284, %get3A_285, %get3A_286] {strides = array<i32>} : memref<4x100x32xf32, #tpu.memory_space<vmem>>, vector<1x1x16xf32>,
        %get3A_288 = vector.shape_cast %get3A_287 : vector<1x1x16xf32> to vector<16xf32>
        %add3A_289 = arith.addf %add3A_253, %get3A_288 : vector<16xf32>
        %add3A_290 = arith.constant 4 : i32
        %add3A_291 = arith.addi %mul3A_222, %add3A_290 : i32
        %get3A_292 = arith.constant 1 : i32
        %get3A_293 = arith.index_cast %get3A_292 : i32 to index
        %get3A_294 = arith.index_cast %add3A_291 : i32 to index
        %get3A_295 = arith.constant 0 : index
        %get3A_296 = tpu.vector_load %arg6[%get3A_293, %get3A_294, %get3A_295] {strides = array<i32>} : memref<4x100x32xf32, #tpu.memory_space<vmem>>, vector<1x1x16xf32>,
        %get3A_297 = vector.shape_cast %get3A_296 : vector<1x1x16xf32> to vector<16xf32>
        %add3A_298 = arith.addf %add3A_262, %get3A_297 : vector<16xf32>
        %add3A_299 = arith.constant 4 : i32
        %add3A_300 = arith.addi %mul3A_222, %add3A_299 : i32
        %get3A_301 = arith.constant 1 : i32
        %get3A_302 = arith.index_cast %get3A_301 : i32 to index
        %get3A_303 = arith.index_cast %add3A_300 : i32 to index
        %get3A_304 = arith.constant 16 : index
        %get3A_305 = tpu.vector_load %arg6[%get3A_302, %get3A_303, %get3A_304] {strides = array<i32>} : memref<4x100x32xf32, #tpu.memory_space<vmem>>, vector<1x1x16xf32>,
        %get3A_306 = vector.shape_cast %get3A_305 : vector<1x1x16xf32> to vector<16xf32>
        %add3A_307 = arith.addf %add3A_271, %get3A_306 : vector<16xf32>
        scf.yield %add3A_298, %add3A_307, %add3A_280, %add3A_289 : vector<16xf32>, vector<16xf32>, vector<16xf32>, vector<16xf32>
      }
      %scan3A_115 = arith.constant 20 : i32
      %add3A_116 = arith.addf %scan3A_114#0, %scan3A_114#2 : vector<16xf32>
      %add3A_117 = arith.addf %scan3A_114#1, %scan3A_114#3 : vector<16xf32>
      %add3A_118 = arith.constant 4 : i32
      %add3A_119 = arith.addi %add3A_96, %add3A_118 : i32
      %lt3A_120 = arith.constant 256 : i32
      %lt3A_121 = arith.cmpi slt, %add3A_119, %lt3A_120 : i32
      %convert_element_type3A_122 = arith.extui %lt3A_121 : i1 to i32
      %cond3A_123 = arith.constant 0 : i32
      %cond3A_124 = arith.cmpi ne, %convert_element_type3A_122, %cond3A_123 : i32
      scf.if %cond3A_124 {
        %dma_start3A_216 = arith.constant 1 : i32
        %dma_start3A_217 = arith.constant 0 : i32
        %dma_start3A_218 = arith.constant 0 : i32
        %dma_start3A_219 = tpu.memref_slice %arg6[%dma_start3A_216, %dma_start3A_217, %dma_start3A_218] : memref<4x100x32xf32, #tpu.memory_space<vmem>> -> memref<1x100x32xf32, #tpu.memory_space<vmem>>
        %dma_start3A_220 = tpu.memref_squeeze %dma_start3A_219 : memref<1x100x32xf32, #tpu.memory_space<vmem>> -> memref<100x32xf32, #tpu.memory_space<vmem>>
        %dma_start3A_221 = arith.constant 0 : i32
        %dma_start3A_222 = tpu.memref_slice %arg5[%add3A_119, %dma_start3A_221] : memref<256x100xi32, #tpu.memory_space<vmem>> -> memref<1x100xi32, #tpu.memory_space<vmem>>
        %dma_start3A_223 = tpu.memref_squeeze %dma_start3A_222 : memref<1x100xi32, #tpu.memory_space<vmem>> -> memref<100xi32, #tpu.memory_space<vmem>>
        %dma_start3A_224 = arith.constant 0 : i32
        %dma_start3A_225 = arith.constant 0 : i32
        %dma_start3A_226 = tpu.memref_slice %arg3[%dma_start3A_224, %dma_start3A_225] : memref<4000000x32xf32, #tpu.memory_space<hbm>> -> memref<4000000x32xf32, #tpu.memory_space<hbm>>
        tpu.enqueue_indirect_dma source(%dma_start3A_226 : memref<4000000x32xf32, #tpu.memory_space<hbm>>) target(%dma_start3A_220 : memref<100x32xf32, #tpu.memory_space<vmem>>) offsets(%dma_start3A_223 : memref<100xi32, #tpu.memory_space<vmem>>) semaphore(%arg9 : memref<!tpu.dma_semaphore, #tpu.memory_space<semaphore_mem>>)
      } else {
      }
      %swap3A = arith.index_cast %add3A_61 : i32 to index
      %swap3A_125 = arith.constant 0 : index
      %swap3A_126 = tpu.vector_load %arg7[%swap3A, %swap3A_125] {strides = array<i32>} : memref<128x32xf32, #tpu.memory_space<vmem>>, vector<1x16xf32>,
      %swap3A_127 = vector.shape_cast %swap3A_126 : vector<1x16xf32> to vector<16xf32>
      %swap3A_128 = vector.shape_cast %add3A_116 : vector<16xf32> to vector<1x16xf32>
      tpu.vector_store %arg7[%swap3A, %swap3A_125], %swap3A_128 {strides = array<i32>} : memref<128x32xf32, #tpu.memory_space<vmem>>, vector<1x16xf32>,
      %swap3A_129 = arith.index_cast %add3A_61 : i32 to index
      %swap3A_130 = arith.constant 16 : index
      %swap3A_131 = tpu.vector_load %arg7[%swap3A_129, %swap3A_130] {strides = array<i32>} : memref<128x32xf32, #tpu.memory_space<vmem>>, vector<1x16xf32>,
      %swap3A_132 = vector.shape_cast %swap3A_131 : vector<1x16xf32> to vector<16xf32>
      %swap3A_133 = vector.shape_cast %add3A_117 : vector<16xf32> to vector<1x16xf32>
      tpu.vector_store %arg7[%swap3A_129, %swap3A_130], %swap3A_133 {strides = array<i32>} : memref<128x32xf32, #tpu.memory_space<vmem>>, vector<1x16xf32>,
      %mul3A_134 = arith.constant 2 : i32
      %mul3A_135 = arith.muli %scan3A_57, %mul3A_134 : i32
      %add3A_136 = arith.constant 1 : i32
      %add3A_137 = arith.addi %mul3A_135, %add3A_136 : i32
      %broadcast_in_dim3A_138 = arith.constant 0.000000e+00 : f32
      %broadcast_in_dim3A_139 = vector.broadcast %broadcast_in_dim3A_138 : f32 to vector<16xf32>
      %broadcast_in_dim3A_140 = arith.constant 0.000000e+00 : f32
      %broadcast_in_dim3A_141 = vector.broadcast %broadcast_in_dim3A_140 : f32 to vector<16xf32>
      %mul3A_142 = arith.constant 4 : i32
      %mul3A_143 = arith.muli %scan3A_57, %mul3A_142 : i32
      %add3A_144 = arith.constant 2 : i32
      %add3A_145 = arith.addi %mul3A_143, %add3A_144 : i32
      %dma_wait3A_146 = arith.constant 2 : i32
      %dma_wait3A_147 = arith.constant 0 : i32
      %dma_wait3A_148 = arith.constant 0 : i32
      %dma_wait3A_149 = tpu.memref_slice %arg6[%dma_wait3A_146, %dma_wait3A_147, %dma_wait3A_148] : memref<4x100x32xf32, #tpu.memory_space<vmem>> -> memref<1x100x32xf32, #tpu.memory_space<vmem>>
      %dma_wait3A_150 = tpu.memref_squeeze %dma_wait3A_149 : memref<1x100x32xf32, #tpu.memory_space<vmem>> -> memref<100x32xf32, #tpu.memory_space<vmem>>
      %dma_wait3A_151 = arith.constant 0 : i32
      %dma_wait3A_152 = tpu.memref_slice %arg5[%add3A_145, %dma_wait3A_151] : memref<256x100xi32, #tpu.memory_space<vmem>> -> memref<1x100xi32, #tpu.memory_space<vmem>>
      %dma_wait3A_153 = tpu.memref_squeeze %dma_wait3A_152 : memref<1x100xi32, #tpu.memory_space<vmem>> -> memref<100xi32, #tpu.memory_space<vmem>>
      %dma_wait3A_154 = arith.constant 0 : i32
      %dma_wait3A_155 = arith.constant 0 : i32
      %dma_wait3A_156 = tpu.memref_slice %arg3[%dma_wait3A_154, %dma_wait3A_155] : memref<4000000x32xf32, #tpu.memory_space<hbm>> -> memref<4000000x32xf32, #tpu.memory_space<hbm>>
      tpu.wait_indirect_dma semaphore(%arg10 : memref<!tpu.dma_semaphore, #tpu.memory_space<semaphore_mem>>) src(%dma_wait3A_156 : memref<4000000x32xf32, #tpu.memory_space<hbm>>) dst(%dma_wait3A_150 : memref<100x32xf32, #tpu.memory_space<vmem>>)
      %broadcast_in_dim3A_157 = arith.constant 0.000000e+00 : f32
      %broadcast_in_dim3A_158 = vector.broadcast %broadcast_in_dim3A_157 : f32 to vector<16xf32>
      %scan3A_159 = arith.constant 0 : i32
      %scan3A_160 = arith.constant 20 : i32
      %scan3A_161 = arith.addi %scan3A_159, %scan3A_160 : i32
      %scan3A_162 = arith.constant 1 : i32
      %scan3A_163:4 = scf.for %scan3A_216 = %scan3A_159 to %scan3A_161 step %scan3A_162 iter_args(%scan3A_217 = %broadcast_in_dim3A_139, %scan3A_218 = %broadcast_in_dim3A_141, %scan3A_219 = %broadcast_in_dim3A_158, %scan3A_220 = %broadcast_in_dim3A_158) -> (vector<16xf32>, vector<16xf32>, vector<16xf32>, vector<16xf32>)  : i32 {
        %mul3A_221 = arith.constant 5 : i32
        %mul3A_222 = arith.muli %scan3A_216, %mul3A_221 : i32
        %get3A = arith.constant 2 : i32
        %get3A_223 = arith.index_cast %get3A : i32 to index
        %get3A_224 = arith.index_cast %mul3A_222 : i32 to index
        %get3A_225 = arith.constant 0 : index
        %get3A_226 = tpu.vector_load %arg6[%get3A_223, %get3A_224, %get3A_225] {strides = array<i32>} : memref<4x100x32xf32, #tpu.memory_space<vmem>>, vector<1x1x16xf32>,
        %get3A_227 = vector.shape_cast %get3A_226 : vector<1x1x16xf32> to vector<16xf32>
        %add3A_228 = arith.addf %scan3A_217, %get3A_227 : vector<16xf32>
        %get3A_229 = arith.constant 2 : i32
        %get3A_230 = arith.index_cast %get3A_229 : i32 to index
        %get3A_231 = arith.index_cast %mul3A_222 : i32 to index
        %get3A_232 = arith.constant 16 : index
        %get3A_233 = tpu.vector_load %arg6[%get3A_230, %get3A_231, %get3A_232] {strides = array<i32>} : memref<4x100x32xf32, #tpu.memory_space<vmem>>, vector<1x1x16xf32>,
        %get3A_234 = vector.shape_cast %get3A_233 : vector<1x1x16xf32> to vector<16xf32>
        %add3A_235 = arith.addf %scan3A_218, %get3A_234 : vector<16xf32>
        %add3A_236 = arith.constant 1 : i32
        %add3A_237 = arith.addi %mul3A_222, %add3A_236 : i32
        %get3A_238 = arith.constant 2 : i32
        %get3A_239 = arith.index_cast %get3A_238 : i32 to index
        %get3A_240 = arith.index_cast %add3A_237 : i32 to index
        %get3A_241 = arith.constant 0 : index
        %get3A_242 = tpu.vector_load %arg6[%get3A_239, %get3A_240, %get3A_241] {strides = array<i32>} : memref<4x100x32xf32, #tpu.memory_space<vmem>>, vector<1x1x16xf32>,
        %get3A_243 = vector.shape_cast %get3A_242 : vector<1x1x16xf32> to vector<16xf32>
        %add3A_244 = arith.addf %scan3A_219, %get3A_243 : vector<16xf32>
        %add3A_245 = arith.constant 1 : i32
        %add3A_246 = arith.addi %mul3A_222, %add3A_245 : i32
        %get3A_247 = arith.constant 2 : i32
        %get3A_248 = arith.index_cast %get3A_247 : i32 to index
        %get3A_249 = arith.index_cast %add3A_246 : i32 to index
        %get3A_250 = arith.constant 16 : index
        %get3A_251 = tpu.vector_load %arg6[%get3A_248, %get3A_249, %get3A_250] {strides = array<i32>} : memref<4x100x32xf32, #tpu.memory_space<vmem>>, vector<1x1x16xf32>,
        %get3A_252 = vector.shape_cast %get3A_251 : vector<1x1x16xf32> to vector<16xf32>
        %add3A_253 = arith.addf %scan3A_220, %get3A_252 : vector<16xf32>
        %add3A_254 = arith.constant 2 : i32
        %add3A_255 = arith.addi %mul3A_222, %add3A_254 : i32
        %get3A_256 = arith.constant 2 : i32
        %get3A_257 = arith.index_cast %get3A_256 : i32 to index
        %get3A_258 = arith.index_cast %add3A_255 : i32 to index
        %get3A_259 = arith.constant 0 : index
        %get3A_260 = tpu.vector_load %arg6[%get3A_257, %get3A_258, %get3A_259] {strides = array<i32>} : memref<4x100x32xf32, #tpu.memory_space<vmem>>, vector<1x1x16xf32>,
        %get3A_261 = vector.shape_cast %get3A_260 : vector<1x1x16xf32> to vector<16xf32>
        %add3A_262 = arith.addf %add3A_228, %get3A_261 : vector<16xf32>
        %add3A_263 = arith.constant 2 : i32
        %add3A_264 = arith.addi %mul3A_222, %add3A_263 : i32
        %get3A_265 = arith.constant 2 : i32
        %get3A_266 = arith.index_cast %get3A_265 : i32 to index
        %get3A_267 = arith.index_cast %add3A_264 : i32 to index
        %get3A_268 = arith.constant 16 : index
        %get3A_269 = tpu.vector_load %arg6[%get3A_266, %get3A_267, %get3A_268] {strides = array<i32>} : memref<4x100x32xf32, #tpu.memory_space<vmem>>, vector<1x1x16xf32>,
        %get3A_270 = vector.shape_cast %get3A_269 : vector<1x1x16xf32> to vector<16xf32>
        %add3A_271 = arith.addf %add3A_235, %get3A_270 : vector<16xf32>
        %add3A_272 = arith.constant 3 : i32
        %add3A_273 = arith.addi %mul3A_222, %add3A_272 : i32
        %get3A_274 = arith.constant 2 : i32
        %get3A_275 = arith.index_cast %get3A_274 : i32 to index
        %get3A_276 = arith.index_cast %add3A_273 : i32 to index
        %get3A_277 = arith.constant 0 : index
        %get3A_278 = tpu.vector_load %arg6[%get3A_275, %get3A_276, %get3A_277] {strides = array<i32>} : memref<4x100x32xf32, #tpu.memory_space<vmem>>, vector<1x1x16xf32>,
        %get3A_279 = vector.shape_cast %get3A_278 : vector<1x1x16xf32> to vector<16xf32>
        %add3A_280 = arith.addf %add3A_244, %get3A_279 : vector<16xf32>
        %add3A_281 = arith.constant 3 : i32
        %add3A_282 = arith.addi %mul3A_222, %add3A_281 : i32
        %get3A_283 = arith.constant 2 : i32
        %get3A_284 = arith.index_cast %get3A_283 : i32 to index
        %get3A_285 = arith.index_cast %add3A_282 : i32 to index
        %get3A_286 = arith.constant 16 : index
        %get3A_287 = tpu.vector_load %arg6[%get3A_284, %get3A_285, %get3A_286] {strides = array<i32>} : memref<4x100x32xf32, #tpu.memory_space<vmem>>, vector<1x1x16xf32>,
        %get3A_288 = vector.shape_cast %get3A_287 : vector<1x1x16xf32> to vector<16xf32>
        %add3A_289 = arith.addf %add3A_253, %get3A_288 : vector<16xf32>
        %add3A_290 = arith.constant 4 : i32
        %add3A_291 = arith.addi %mul3A_222, %add3A_290 : i32
        %get3A_292 = arith.constant 2 : i32
        %get3A_293 = arith.index_cast %get3A_292 : i32 to index
        %get3A_294 = arith.index_cast %add3A_291 : i32 to index
        %get3A_295 = arith.constant 0 : index
        %get3A_296 = tpu.vector_load %arg6[%get3A_293, %get3A_294, %get3A_295] {strides = array<i32>} : memref<4x100x32xf32, #tpu.memory_space<vmem>>, vector<1x1x16xf32>,
        %get3A_297 = vector.shape_cast %get3A_296 : vector<1x1x16xf32> to vector<16xf32>
        %add3A_298 = arith.addf %add3A_262, %get3A_297 : vector<16xf32>
        %add3A_299 = arith.constant 4 : i32
        %add3A_300 = arith.addi %mul3A_222, %add3A_299 : i32
        %get3A_301 = arith.constant 2 : i32
        %get3A_302 = arith.index_cast %get3A_301 : i32 to index
        %get3A_303 = arith.index_cast %add3A_300 : i32 to index
        %get3A_304 = arith.constant 16 : index
        %get3A_305 = tpu.vector_load %arg6[%get3A_302, %get3A_303, %get3A_304] {strides = array<i32>} : memref<4x100x32xf32, #tpu.memory_space<vmem>>, vector<1x1x16xf32>,
        %get3A_306 = vector.shape_cast %get3A_305 : vector<1x1x16xf32> to vector<16xf32>
        %add3A_307 = arith.addf %add3A_271, %get3A_306 : vector<16xf32>
        scf.yield %add3A_298, %add3A_307, %add3A_280, %add3A_289 : vector<16xf32>, vector<16xf32>, vector<16xf32>, vector<16xf32>
      }
      %scan3A_164 = arith.constant 20 : i32
      %add3A_165 = arith.addf %scan3A_163#0, %scan3A_163#2 : vector<16xf32>
      %add3A_166 = arith.addf %scan3A_163#1, %scan3A_163#3 : vector<16xf32>
      %add3A_167 = arith.constant 4 : i32
      %add3A_168 = arith.addi %add3A_145, %add3A_167 : i32
      %lt3A_169 = arith.constant 256 : i32
      %lt3A_170 = arith.cmpi slt, %add3A_168, %lt3A_169 : i32
      %convert_element_type3A_171 = arith.extui %lt3A_170 : i1 to i32
      %cond3A_172 = arith.constant 0 : i32
      %cond3A_173 = arith.cmpi ne, %convert_element_type3A_171, %cond3A_172 : i32
      scf.if %cond3A_173 {
        %dma_start3A_216 = arith.constant 2 : i32
        %dma_start3A_217 = arith.constant 0 : i32
        %dma_start3A_218 = arith.constant 0 : i32
        %dma_start3A_219 = tpu.memref_slice %arg6[%dma_start3A_216, %dma_start3A_217, %dma_start3A_218] : memref<4x100x32xf32, #tpu.memory_space<vmem>> -> memref<1x100x32xf32, #tpu.memory_space<vmem>>
        %dma_start3A_220 = tpu.memref_squeeze %dma_start3A_219 : memref<1x100x32xf32, #tpu.memory_space<vmem>> -> memref<100x32xf32, #tpu.memory_space<vmem>>
        %dma_start3A_221 = arith.constant 0 : i32
        %dma_start3A_222 = tpu.memref_slice %arg5[%add3A_168, %dma_start3A_221] : memref<256x100xi32, #tpu.memory_space<vmem>> -> memref<1x100xi32, #tpu.memory_space<vmem>>
        %dma_start3A_223 = tpu.memref_squeeze %dma_start3A_222 : memref<1x100xi32, #tpu.memory_space<vmem>> -> memref<100xi32, #tpu.memory_space<vmem>>
        %dma_start3A_224 = arith.constant 0 : i32
        %dma_start3A_225 = arith.constant 0 : i32
        %dma_start3A_226 = tpu.memref_slice %arg3[%dma_start3A_224, %dma_start3A_225] : memref<4000000x32xf32, #tpu.memory_space<hbm>> -> memref<4000000x32xf32, #tpu.memory_space<hbm>>
        tpu.enqueue_indirect_dma source(%dma_start3A_226 : memref<4000000x32xf32, #tpu.memory_space<hbm>>) target(%dma_start3A_220 : memref<100x32xf32, #tpu.memory_space<vmem>>) offsets(%dma_start3A_223 : memref<100xi32, #tpu.memory_space<vmem>>) semaphore(%arg10 : memref<!tpu.dma_semaphore, #tpu.memory_space<semaphore_mem>>)
      } else {
      }
      %mul3A_174 = arith.constant 4 : i32
      %mul3A_175 = arith.muli %scan3A_57, %mul3A_174 : i32
      %add3A_176 = arith.constant 3 : i32
      %add3A_177 = arith.addi %mul3A_175, %add3A_176 : i32
      %dma_wait3A_178 = arith.constant 3 : i32
      %dma_wait3A_179 = arith.constant 0 : i32
      %dma_wait3A_180 = arith.constant 0 : i32
      %dma_wait3A_181 = tpu.memref_slice %arg6[%dma_wait3A_178, %dma_wait3A_179, %dma_wait3A_180] : memref<4x100x32xf32, #tpu.memory_space<vmem>> -> memref<1x100x32xf32, #tpu.memory_space<vmem>>
      %dma_wait3A_182 = tpu.memref_squeeze %dma_wait3A_181 : memref<1x100x32xf32, #tpu.memory_space<vmem>> -> memref<100x32xf32, #tpu.memory_space<vmem>>
      %dma_wait3A_183 = arith.constant 0 : i32
      %dma_wait3A_184 = tpu.memref_slice %arg5[%add3A_177, %dma_wait3A_183] : memref<256x100xi32, #tpu.memory_space<vmem>> -> memref<1x100xi32, #tpu.memory_space<vmem>>
      %dma_wait3A_185 = tpu.memref_squeeze %dma_wait3A_184 : memref<1x100xi32, #tpu.memory_space<vmem>> -> memref<100xi32, #tpu.memory_space<vmem>>
      %dma_wait3A_186 = arith.constant 0 : i32
      %dma_wait3A_187 = arith.constant 0 : i32
      %dma_wait3A_188 = tpu.memref_slice %arg3[%dma_wait3A_186, %dma_wait3A_187] : memref<4000000x32xf32, #tpu.memory_space<hbm>> -> memref<4000000x32xf32, #tpu.memory_space<hbm>>
      tpu.wait_indirect_dma semaphore(%arg11 : memref<!tpu.dma_semaphore, #tpu.memory_space<semaphore_mem>>) src(%dma_wait3A_188 : memref<4000000x32xf32, #tpu.memory_space<hbm>>) dst(%dma_wait3A_182 : memref<100x32xf32, #tpu.memory_space<vmem>>)
      %broadcast_in_dim3A_189 = arith.constant 0.000000e+00 : f32
      %broadcast_in_dim3A_190 = vector.broadcast %broadcast_in_dim3A_189 : f32 to vector<16xf32>
      %scan3A_191 = arith.constant 0 : i32
      %scan3A_192 = arith.constant 20 : i32
      %scan3A_193 = arith.addi %scan3A_191, %scan3A_192 : i32
      %scan3A_194 = arith.constant 1 : i32
      %scan3A_195:4 = scf.for %scan3A_216 = %scan3A_191 to %scan3A_193 step %scan3A_194 iter_args(%scan3A_217 = %add3A_165, %scan3A_218 = %add3A_166, %scan3A_219 = %broadcast_in_dim3A_190, %scan3A_220 = %broadcast_in_dim3A_190) -> (vector<16xf32>, vector<16xf32>, vector<16xf32>, vector<16xf32>)  : i32 {
        %mul3A_221 = arith.constant 5 : i32
        %mul3A_222 = arith.muli %scan3A_216, %mul3A_221 : i32
        %get3A = arith.constant 3 : i32
        %get3A_223 = arith.index_cast %get3A : i32 to index
        %get3A_224 = arith.index_cast %mul3A_222 : i32 to index
        %get3A_225 = arith.constant 0 : index
        %get3A_226 = tpu.vector_load %arg6[%get3A_223, %get3A_224, %get3A_225] {strides = array<i32>} : memref<4x100x32xf32, #tpu.memory_space<vmem>>, vector<1x1x16xf32>,
        %get3A_227 = vector.shape_cast %get3A_226 : vector<1x1x16xf32> to vector<16xf32>
        %add3A_228 = arith.addf %scan3A_217, %get3A_227 : vector<16xf32>
        %get3A_229 = arith.constant 3 : i32
        %get3A_230 = arith.index_cast %get3A_229 : i32 to index
        %get3A_231 = arith.index_cast %mul3A_222 : i32 to index
        %get3A_232 = arith.constant 16 : index
        %get3A_233 = tpu.vector_load %arg6[%get3A_230, %get3A_231, %get3A_232] {strides = array<i32>} : memref<4x100x32xf32, #tpu.memory_space<vmem>>, vector<1x1x16xf32>,
        %get3A_234 = vector.shape_cast %get3A_233 : vector<1x1x16xf32> to vector<16xf32>
        %add3A_235 = arith.addf %scan3A_218, %get3A_234 : vector<16xf32>
        %add3A_236 = arith.constant 1 : i32
        %add3A_237 = arith.addi %mul3A_222, %add3A_236 : i32
        %get3A_238 = arith.constant 3 : i32
        %get3A_239 = arith.index_cast %get3A_238 : i32 to index
        %get3A_240 = arith.index_cast %add3A_237 : i32 to index
        %get3A_241 = arith.constant 0 : index
        %get3A_242 = tpu.vector_load %arg6[%get3A_239, %get3A_240, %get3A_241] {strides = array<i32>} : memref<4x100x32xf32, #tpu.memory_space<vmem>>, vector<1x1x16xf32>,
        %get3A_243 = vector.shape_cast %get3A_242 : vector<1x1x16xf32> to vector<16xf32>
        %add3A_244 = arith.addf %scan3A_219, %get3A_243 : vector<16xf32>
        %add3A_245 = arith.constant 1 : i32
        %add3A_246 = arith.addi %mul3A_222, %add3A_245 : i32
        %get3A_247 = arith.constant 3 : i32
        %get3A_248 = arith.index_cast %get3A_247 : i32 to index
        %get3A_249 = arith.index_cast %add3A_246 : i32 to index
        %get3A_250 = arith.constant 16 : index
        %get3A_251 = tpu.vector_load %arg6[%get3A_248, %get3A_249, %get3A_250] {strides = array<i32>} : memref<4x100x32xf32, #tpu.memory_space<vmem>>, vector<1x1x16xf32>,
        %get3A_252 = vector.shape_cast %get3A_251 : vector<1x1x16xf32> to vector<16xf32>
        %add3A_253 = arith.addf %scan3A_220, %get3A_252 : vector<16xf32>
        %add3A_254 = arith.constant 2 : i32
        %add3A_255 = arith.addi %mul3A_222, %add3A_254 : i32
        %get3A_256 = arith.constant 3 : i32
        %get3A_257 = arith.index_cast %get3A_256 : i32 to index
        %get3A_258 = arith.index_cast %add3A_255 : i32 to index
        %get3A_259 = arith.constant 0 : index
        %get3A_260 = tpu.vector_load %arg6[%get3A_257, %get3A_258, %get3A_259] {strides = array<i32>} : memref<4x100x32xf32, #tpu.memory_space<vmem>>, vector<1x1x16xf32>,
        %get3A_261 = vector.shape_cast %get3A_260 : vector<1x1x16xf32> to vector<16xf32>
        %add3A_262 = arith.addf %add3A_228, %get3A_261 : vector<16xf32>
        %add3A_263 = arith.constant 2 : i32
        %add3A_264 = arith.addi %mul3A_222, %add3A_263 : i32
        %get3A_265 = arith.constant 3 : i32
        %get3A_266 = arith.index_cast %get3A_265 : i32 to index
        %get3A_267 = arith.index_cast %add3A_264 : i32 to index
        %get3A_268 = arith.constant 16 : index
        %get3A_269 = tpu.vector_load %arg6[%get3A_266, %get3A_267, %get3A_268] {strides = array<i32>} : memref<4x100x32xf32, #tpu.memory_space<vmem>>, vector<1x1x16xf32>,
        %get3A_270 = vector.shape_cast %get3A_269 : vector<1x1x16xf32> to vector<16xf32>
        %add3A_271 = arith.addf %add3A_235, %get3A_270 : vector<16xf32>
        %add3A_272 = arith.constant 3 : i32
        %add3A_273 = arith.addi %mul3A_222, %add3A_272 : i32
        %get3A_274 = arith.constant 3 : i32
        %get3A_275 = arith.index_cast %get3A_274 : i32 to index
        %get3A_276 = arith.index_cast %add3A_273 : i32 to index
        %get3A_277 = arith.constant 0 : index
        %get3A_278 = tpu.vector_load %arg6[%get3A_275, %get3A_276, %get3A_277] {strides = array<i32>} : memref<4x100x32xf32, #tpu.memory_space<vmem>>, vector<1x1x16xf32>,
        %get3A_279 = vector.shape_cast %get3A_278 : vector<1x1x16xf32> to vector<16xf32>
        %add3A_280 = arith.addf %add3A_244, %get3A_279 : vector<16xf32>
        %add3A_281 = arith.constant 3 : i32
        %add3A_282 = arith.addi %mul3A_222, %add3A_281 : i32
        %get3A_283 = arith.constant 3 : i32
        %get3A_284 = arith.index_cast %get3A_283 : i32 to index
        %get3A_285 = arith.index_cast %add3A_282 : i32 to index
        %get3A_286 = arith.constant 16 : index
        %get3A_287 = tpu.vector_load %arg6[%get3A_284, %get3A_285, %get3A_286] {strides = array<i32>} : memref<4x100x32xf32, #tpu.memory_space<vmem>>, vector<1x1x16xf32>,
        %get3A_288 = vector.shape_cast %get3A_287 : vector<1x1x16xf32> to vector<16xf32>
        %add3A_289 = arith.addf %add3A_253, %get3A_288 : vector<16xf32>
        %add3A_290 = arith.constant 4 : i32
        %add3A_291 = arith.addi %mul3A_222, %add3A_290 : i32
        %get3A_292 = arith.constant 3 : i32
        %get3A_293 = arith.index_cast %get3A_292 : i32 to index
        %get3A_294 = arith.index_cast %add3A_291 : i32 to index
        %get3A_295 = arith.constant 0 : index
        %get3A_296 = tpu.vector_load %arg6[%get3A_293, %get3A_294, %get3A_295] {strides = array<i32>} : memref<4x100x32xf32, #tpu.memory_space<vmem>>, vector<1x1x16xf32>,
        %get3A_297 = vector.shape_cast %get3A_296 : vector<1x1x16xf32> to vector<16xf32>
        %add3A_298 = arith.addf %add3A_262, %get3A_297 : vector<16xf32>
        %add3A_299 = arith.constant 4 : i32
        %add3A_300 = arith.addi %mul3A_222, %add3A_299 : i32
        %get3A_301 = arith.constant 3 : i32
        %get3A_302 = arith.index_cast %get3A_301 : i32 to index
        %get3A_303 = arith.index_cast %add3A_300 : i32 to index
        %get3A_304 = arith.constant 16 : index
        %get3A_305 = tpu.vector_load %arg6[%get3A_302, %get3A_303, %get3A_304] {strides = array<i32>} : memref<4x100x32xf32, #tpu.memory_space<vmem>>, vector<1x1x16xf32>,
        %get3A_306 = vector.shape_cast %get3A_305 : vector<1x1x16xf32> to vector<16xf32>
        %add3A_307 = arith.addf %add3A_271, %get3A_306 : vector<16xf32>
        scf.yield %add3A_298, %add3A_307, %add3A_280, %add3A_289 : vector<16xf32>, vector<16xf32>, vector<16xf32>, vector<16xf32>
      }
      %scan3A_196 = arith.constant 20 : i32
      %add3A_197 = arith.addf %scan3A_195#0, %scan3A_195#2 : vector<16xf32>
      %add3A_198 = arith.addf %scan3A_195#1, %scan3A_195#3 : vector<16xf32>
      %add3A_199 = arith.constant 4 : i32
      %add3A_200 = arith.addi %add3A_177, %add3A_199 : i32
      %lt3A_201 = arith.constant 256 : i32
      %lt3A_202 = arith.cmpi slt, %add3A_200, %lt3A_201 : i32
      %convert_element_type3A_203 = arith.extui %lt3A_202 : i1 to i32
      %cond3A_204 = arith.constant 0 : i32
      %cond3A_205 = arith.cmpi ne, %convert_element_type3A_203, %cond3A_204 : i32
      scf.if %cond3A_205 {
        %dma_start3A_216 = arith.constant 3 : i32
        %dma_start3A_217 = arith.constant 0 : i32
        %dma_start3A_218 = arith.constant 0 : i32
        %dma_start3A_219 = tpu.memref_slice %arg6[%dma_start3A_216, %dma_start3A_217, %dma_start3A_218] : memref<4x100x32xf32, #tpu.memory_space<vmem>> -> memref<1x100x32xf32, #tpu.memory_space<vmem>>
        %dma_start3A_220 = tpu.memref_squeeze %dma_start3A_219 : memref<1x100x32xf32, #tpu.memory_space<vmem>> -> memref<100x32xf32, #tpu.memory_space<vmem>>
        %dma_start3A_221 = arith.constant 0 : i32
        %dma_start3A_222 = tpu.memref_slice %arg5[%add3A_200, %dma_start3A_221] : memref<256x100xi32, #tpu.memory_space<vmem>> -> memref<1x100xi32, #tpu.memory_space<vmem>>
        %dma_start3A_223 = tpu.memref_squeeze %dma_start3A_222 : memref<1x100xi32, #tpu.memory_space<vmem>> -> memref<100xi32, #tpu.memory_space<vmem>>
        %dma_start3A_224 = arith.constant 0 : i32
        %dma_start3A_225 = arith.constant 0 : i32
        %dma_start3A_226 = tpu.memref_slice %arg3[%dma_start3A_224, %dma_start3A_225] : memref<4000000x32xf32, #tpu.memory_space<hbm>> -> memref<4000000x32xf32, #tpu.memory_space<hbm>>
        tpu.enqueue_indirect_dma source(%dma_start3A_226 : memref<4000000x32xf32, #tpu.memory_space<hbm>>) target(%dma_start3A_220 : memref<100x32xf32, #tpu.memory_space<vmem>>) offsets(%dma_start3A_223 : memref<100xi32, #tpu.memory_space<vmem>>) semaphore(%arg11 : memref<!tpu.dma_semaphore, #tpu.memory_space<semaphore_mem>>)
      } else {
      }
      %swap3A_206 = arith.index_cast %add3A_137 : i32 to index
      %swap3A_207 = arith.constant 0 : index
      %swap3A_208 = tpu.vector_load %arg7[%swap3A_206, %swap3A_207] {strides = array<i32>} : memref<128x32xf32, #tpu.memory_space<vmem>>, vector<1x16xf32>,
      %swap3A_209 = vector.shape_cast %swap3A_208 : vector<1x16xf32> to vector<16xf32>
      %swap3A_210 = vector.shape_cast %add3A_197 : vector<16xf32> to vector<1x16xf32>
      tpu.vector_store %arg7[%swap3A_206, %swap3A_207], %swap3A_210 {strides = array<i32>} : memref<128x32xf32, #tpu.memory_space<vmem>>, vector<1x16xf32>,
      %swap3A_211 = arith.index_cast %add3A_137 : i32 to index
      %swap3A_212 = arith.constant 16 : index
      %swap3A_213 = tpu.vector_load %arg7[%swap3A_211, %swap3A_212] {strides = array<i32>} : memref<128x32xf32, #tpu.memory_space<vmem>>, vector<1x16xf32>,
      %swap3A_214 = vector.shape_cast %swap3A_213 : vector<1x16xf32> to vector<16xf32>
      %swap3A_215 = vector.shape_cast %add3A_198 : vector<16xf32> to vector<1x16xf32>
      tpu.vector_store %arg7[%swap3A_211, %swap3A_212], %swap3A_215 {strides = array<i32>} : memref<128x32xf32, #tpu.memory_space<vmem>>, vector<1x16xf32>,
    }
    %scan3A_54 = arith.constant 64 : i32
    %mul3A_55 = arith.constant 128 : i32
    %mul3A_56 = arith.muli %add3A, %mul3A_55 : i32
    "tpu.region"() ({
      %run_scoped3A = tpu.sem_alloc : memref<!tpu.dma_semaphore, #tpu.memory_space<semaphore_mem>>
      %dma_start3A_57 = arith.constant 0 : i32
      %dma_start3A_58 = tpu.memref_slice %arg4[%mul3A_56, %dma_start3A_57] : memref<4096x32xf32, #tpu.memory_space<hbm>> -> memref<128x32xf32, #tpu.memory_space<hbm>>
      %dma_start3A_59 = arith.constant 0 : i32
      %dma_start3A_60 = tpu.memref_slice %arg4[%mul3A_56, %dma_start3A_59] : memref<4096x32xf32, #tpu.memory_space<hbm>> -> memref<128x32xf32, #tpu.memory_space<hbm>>
      tpu.enqueue_dma source(%arg7 : memref<128x32xf32, #tpu.memory_space<vmem>>) target(%dma_start3A_60 : memref<128x32xf32, #tpu.memory_space<hbm>>) target_semaphore(%run_scoped3A : memref<!tpu.dma_semaphore, #tpu.memory_space<semaphore_mem>>)
      %dma_wait3A = arith.constant 0 : i32
      %dma_wait3A_61 = tpu.memref_slice %arg4[%mul3A_56, %dma_wait3A] : memref<4096x32xf32, #tpu.memory_space<hbm>> -> memref<128x32xf32, #tpu.memory_space<hbm>>
      %dma_wait3A_62 = arith.constant 0 : i32
      %dma_wait3A_63 = tpu.memref_slice %arg4[%mul3A_56, %dma_wait3A_62] : memref<4096x32xf32, #tpu.memory_space<hbm>> -> memref<128x32xf32, #tpu.memory_space<hbm>>
      tpu.wait_dma2 semaphore(%run_scoped3A : memref<!tpu.dma_semaphore, #tpu.memory_space<semaphore_mem>>) src(%arg7 : memref<128x32xf32, #tpu.memory_space<vmem>>) dst(%dma_wait3A_63 : memref<128x32xf32, #tpu.memory_space<hbm>>)
      tpu.yield
    }) : () -> ()
    return
  }
}

module attributes {stable_mosaic.version = 14 : i64} {
  func.func @body(%arg0: i32, %arg1: memref<32x8192xf32, #tpu.memory_space<vmem>>, %arg2: memref<32x32xf32, #tpu.memory_space<vmem>>, %arg3: memref<8192x128xf32, #tpu.memory_space<vmem>>) attributes {dimension_semantics = [#tpu.dimension_semantics<arbitrary>], iteration_bounds = array<i64: 123>, scalar_prefetch = 0 : i64, scratch_operands = 0 : i64, tpu.core_type = #tpu.core_type<tc>, window_params = [{transform_indices = @transform_0, window_bounds = array<i64: 32, 8192>}, {pipeline_mode = #tpu.pipeline_mode<synchronous>, transform_indices = @transform_1, window_bounds = array<i64: 32, 32>}, {transform_indices = @transform_2, window_bounds = array<i64: 8192, 128>}]} {
    %get3A = arith.constant 0 : index
    %get3A_0 = arith.constant 0 : index
    %get3A_1 = vector.load %arg1[%get3A, %get3A_0] : memref<32x8192xf32, #tpu.memory_space<vmem>>, vector<32x8192xf32>
    %get3A_2 = arith.constant 0 : index
    %get3A_3 = arith.constant 0 : index
    %get3A_4 = vector.load %arg2[%get3A_2, %get3A_3] : memref<32x32xf32, #tpu.memory_space<vmem>>, vector<32x32xf32>
    %dot_general3A = arith.constant dense<0.000000e+00> : vector<8192x32xf32>
    %dot_general3A_5 = tpu.matmul %get3A_1, %get3A_4, %dot_general3A {dimension_numbers = #tpu.dot_dimension_numbers<[0], [0], [1], [1], [0, 1, 1, 1], [], []>, transpose_lhs_hint = false} : vector<32x8192xf32>, vector<32x32xf32>, vector<8192x32xf32> -> vector<8192x32xf32>
    %swap3A = arith.constant 0 : index
    %swap3A_6 = arith.constant 0 : index
    %swap3A_7 = vector.load %arg3[%swap3A, %swap3A_6] : memref<8192x128xf32, #tpu.memory_space<vmem>>, vector<8192x32xf32>
    tpu.vector_store %arg3[%swap3A, %swap3A_6], %dot_general3A_5 {strides = array<i32>} : memref<8192x128xf32, #tpu.memory_space<vmem>>, vector<8192x32xf32>,
    return
  }
  func.func @transform_0(%arg0: i32) -> (i32, i32) {
    %c0_i32 = arith.constant 0 : i32
    %c0_i32_0 = arith.constant 0 : i32
    return %c0_i32, %arg0 : i32, i32
  }
  func.func @transform_1(%arg0: i32) -> (i32, i32) {
    %c0_i32 = arith.constant 0 : i32
    %c0_i32_0 = arith.constant 0 : i32
    %c0_i32_1 = arith.constant 0 : i32
    return %c0_i32, %c0_i32_0 : i32, i32
  }
  func.func @transform_2(%arg0: i32) -> (i32, i32) {
    %c0_i32 = arith.constant 0 : i32
    %c0_i32_0 = arith.constant 0 : i32
    return %arg0, %c0_i32 : i32, i32
  }
}

module attributes {stable_mosaic.version = 14 : i64} {
  func.func @body(%arg0: memref<4096x32xf32, #tpu.memory_space<vmem>>, %arg1: memref<4x32xf32, #tpu.memory_space<vmem>>, %arg2: memref<1x4xf32, #tpu.memory_space<vmem>>, %arg3: memref<4096x4xf32, #tpu.memory_space<vmem>>) attributes {dimension_semantics = [], scalar_prefetch = 0 : i64, scratch_operands = 0 : i64, tpu.core_type = #tpu.core_type<tc>} {
    %get3A = arith.constant 0 : index
    %get3A_0 = arith.constant 0 : index
    %get3A_1 = vector.load %arg0[%get3A, %get3A_0] : memref<4096x32xf32, #tpu.memory_space<vmem>>, vector<4096x32xf32>
    %get3A_2 = arith.constant 0 : index
    %get3A_3 = arith.constant 0 : index
    %get3A_4 = vector.load %arg1[%get3A_2, %get3A_3] : memref<4x32xf32, #tpu.memory_space<vmem>>, vector<4x32xf32>
    %dot_general3A = arith.constant dense<0.000000e+00> : vector<4096x4xf32>
    %dot_general3A_5 = tpu.matmul %get3A_1, %get3A_4, %dot_general3A {dimension_numbers = #tpu.dot_dimension_numbers<[1], [1], [0], [0], [0, 0, 1, 0], [], []>, transpose_lhs_hint = false} : vector<4096x32xf32>, vector<4x32xf32>, vector<4096x4xf32> -> vector<4096x4xf32>
    %mul3A = arith.constant 5.000000e-03 : f32
    %mul3A_6 = vector.broadcast %mul3A : f32 to vector<4096x4xf32>
    %mul3A_7 = arith.mulf %dot_general3A_5, %mul3A_6 : vector<4096x4xf32>
    %get3A_8 = arith.constant 0 : index
    %get3A_9 = arith.constant 0 : index
    %get3A_10 = vector.load %arg2[%get3A_8, %get3A_9] : memref<1x4xf32, #tpu.memory_space<vmem>>, vector<1x4xf32>
    %add3A = vector.broadcast %get3A_10 : vector<1x4xf32> to vector<4096x4xf32>
    %add3A_11 = arith.addf %mul3A_7, %add3A : vector<4096x4xf32>
    %swap3A = arith.constant 0 : index
    %swap3A_12 = arith.constant 0 : index
    %swap3A_13 = vector.load %arg3[%swap3A, %swap3A_12] : memref<4096x4xf32, #tpu.memory_space<vmem>>, vector<4096x4xf32>
    tpu.vector_store %arg3[%swap3A, %swap3A_12], %add3A_11 {strides = array<i32>} : memref<4096x4xf32, #tpu.memory_space<vmem>>, vector<4096x4xf32>,
    return
  }
}

</mosaic_0001>

<sc_bundles>
// kernel: kernel.5.cloned.1.call-start
scs
__scs_entry_jumppad:
0x0: {  	(pc) =	sbr.rel $0x88, $3  }
0x1: {  	(tag) =	ssettag $0x0;
	lr =	simm.s32 $0x1  }
0x2: {  	[smem:$0x3F9D] =	sst lr;
	_ =	strace $0xD0000000  }
0x3: {  	_ = 	snop  }
0x4: {  	_ = 	snop  }
0x5: {  	_ = 	snop  }
0x6: {  	_ = 	snop  }
0x7: {  	_ = 	snop  }
__scs_overlays_trampoline_lowered:
0x8: {  	[smem:$0x3FAC] =	sst s0  }
0x9: {  	[smem:$0x3FAD] =	sst s1  }
0xa: {  	[smem:$0x3FAE] =	sst s2  }
0xb: {  	[smem:$0x3FAF] =	sst s3  }
0xc: {  	[smem:$0x3FB0] =	sst s4  }
0xd: {  	[smem:$0x3FB1] =	sst s5  }
0xe: {  	[smem:$0x3FB2] =	sst s6  }
0xf: {  	[smem:$0x3FB3] =	sst s7  }
0x10: {  	[smem:$0x3FB4] =	sst s8  }
0x11: {  	[smem:$0x3FB5] =	sst s9;
	s0 =	simm.s32 @!p0 $0x0  }
0x12: {  	s1 =	sld [smem:$0x3F9B];
	s0 =	simm.s32 @p0 $0x1  }
0x13: {  	[smem:$0x3FB6] =	sst s0;
	s0 =	simm.s32 @!p1 $0x0  }
0x14: {  	s2 =	sld [smem:$0x3F9A];
	s0 =	simm.s32 @p1 $0x1  }
0x15: {  	[smem:$0x3FB7] =	sst s0;
	s0 =	simm.s32 @!p2 $0x0  }
0x16: {  	s3 =	sld [smem:$0x3FDB];
	s0 =	simm.s32 @p2 $0x1  }
0x17: {  	s4 =	simm.s32 $0x1BF5;
	[smem:$0x3FB9] =	sst s0  }
0x18: {  	s0 =	sld [smem:$0x3F9C];
	_ =	swait.ge [sflag:s4], $0x0  }
0x19: {  	s7 =	sld [smem:$0x3F9D]  }
0x1a: {  	s8 =	sadd.s32 $0xFFFFE003, lr  }
0x1b: {  	s9 =	sadd.s32 $0xFFFFFEF7, lr;
	s5 =	simm.s32 $0xFFFFFFFF;
	p2 =	slt.u32 s8, $0xFFFFF086  }
0x1c: {  	p1 =	slt.u32 s9, $0xF7A;
	s5 =	simm.s32 @!p2 $0x0  }
0x1d: {  	s5 =	simm.s32 @p1 $0x1;
	p0 =	seq.s32 s7, s2  }
0x1e: {  	s7 =	smul.u32 @!p0 $0xF7A, s2;
	p2 =	seq.s32 @!p0 s5, $0x0  }
0x1f: {  	s9 =	smul.u32 $0xF7A, s1;
	s8 =	simm.s32 @!p0 $0x1BF5;
	p2 =	por !p2, p0  }
0x20: {  	[sflag:s8] =	ssyncset.s32 @!p0 $0xFFFFF086;
	s6 =	sadd.s32 @!p0 s3, s7;
	s7 =	simm.s32 @!p0 $0x108  }
0x21: {  	s3 =	sadd.s32 s3, s9;
	s6 =	sadd.s32 @!p0 $0x88, s6;
	s7 =	simm.s32 @p2 $0x1082  }
0x22: {  	[simem:s7], [sflag:s8] =	dma.local @!p0 [hbm:s6], $0xF7A  }
0x23: {  	s9 =	sor.u32 $0xD0000000, s2;
	s6 =	simm.s32 $0x108;
	_ =	swait.ge @!p0 [sflag:s8], $0x0  }
0x24: {  	s3 =	sadd.s32 $0x88, s3;
	s6 =	simm.s32 @!p1 $0x1082;
	[sflag:s4] =	ssyncset.s32 $0xFFFFF086  }
0x25: {  	[simem:s6], [sflag:s4] =	dma.local [hbm:s3], $0xF7A  }
0x26: {  	[smem:$0x3F9D] =	sst s1;
	(tag) =	ssettag s2;
	_ =	strace s9  }
0x27: {  	s1 =	sld [smem:$0x3FAD]  }
0x28: {  	s2 =	sld [smem:$0x3FAE]  }
0x29: {  	s4 =	sld [smem:$0x3FB0]  }
0x2a: {  	p0 =	seq.s32 s5, $0x0;
	s5 =	sld [smem:$0x3FB1]  }
0x2b: {  	s6 =	sld [smem:$0x3FB2]  }
0x2c: {  	s7 =	sld [smem:$0x3FB3]  }
0x2d: {  	s3 =	simm.s32 $0x108;
	s8 =	sld [smem:$0x3FB4]  }
0x2e: {  	s3 =	simm.s32 @!p0 $0x1082;
	s9 =	sld [smem:$0x3FB5]  }
0x2f: {  	lr =	sadd.s32 s0, s3;
	s0 =	sld [smem:$0x3FAC]  }
0x30: {  	s3 =	sld [smem:$0x3FAF]  }
0x31: {  	[smem:$0x3FB8] =	sst s10  }
0x32: {  	s10 =	sld [smem:$0x3FB6];
	_ =	sdelay $0x3  }
0x33: {  	p0 =	seq.s32 s10, $0x1;
	s10 =	sld [smem:$0x3FB8];
	_ =	sdelay $0x3  }
0x34: {  	[smem:$0x3FB8] =	sst s10  }
0x35: {  	s10 =	sld [smem:$0x3FB7];
	_ =	sdelay $0x3  }
0x36: {  	p1 =	seq.s32 s10, $0x1;
	s10 =	sld [smem:$0x3FB8];
	_ =	sdelay $0x3  }
0x37: {  	[smem:$0x3FB8] =	sst s10  }
0x38: {  	s10 =	sld [smem:$0x3FB9]  }
0x39: {  	_ = 	snop;
	(pc) =	sbr.ind lr, $3  }
0x3a: {  	_ = 	snop  }
0x3b: {  	_ = 	snop  }
0x3c: {  	p2 =	seq.s32 s10, $0x1;
	s10 =	sld [smem:$0x3FB8]  }
0x3d: {  	_ =	shalt  }
0x3e: {  	_ =	shalt  }
0x3f: {  	_ =	shalt  }
0x40: {  	_ =	shalt  }
0x41: {  	_ =	shalt  }
0x42: {  	_ =	shalt  }
0x43: {  	_ =	shalt  }
0x44: {  	_ =	shalt  }
0x45: {  	_ =	shalt  }
0x46: {  	_ =	shalt  }
0x47: {  	_ =	shalt  }
0x48: {  	_ =	shalt  }
0x49: {  	_ =	shalt  }
0x4a: {  	_ =	shalt  }
0x4b: {  	_ =	shalt  }
0x4c: {  	_ =	shalt  }
0x4d: {  	_ =	shalt  }
0x4e: {  	_ =	shalt  }
0x4f: {  	_ =	shalt  }
0x50: {  	_ =	shalt  }
0x51: {  	_ =	shalt  }
0x52: {  	_ =	shalt  }
0x53: {  	_ =	shalt  }
0x54: {  	_ =	shalt  }
0x55: {  	_ =	shalt  }
0x56: {  	_ =	shalt  }
0x57: {  	_ =	shalt  }
0x58: {  	_ =	shalt  }
0x59: {  	_ =	shalt  }
0x5a: {  	_ =	shalt  }
0x5b: {  	_ =	shalt  }
0x5c: {  	_ =	shalt  }
0x5d: {  	_ =	shalt  }
0x5e: {  	_ =	shalt  }
0x5f: {  	_ =	shalt  }
0x60: {  	_ =	shalt  }
0x61: {  	_ =	shalt  }
0x62: {  	_ =	shalt  }
0x63: {  	_ =	shalt  }
0x64: {  	_ =	shalt  }
0x65: {  	_ =	shalt  }
0x66: {  	_ =	shalt  }
0x67: {  	_ =	shalt  }
0x68: {  	_ =	shalt  }
0x69: {  	_ =	shalt  }
0x6a: {  	_ =	shalt  }
0x6b: {  	_ =	shalt  }
0x6c: {  	_ =	shalt  }
0x6d: {  	_ =	shalt  }
0x6e: {  	_ =	shalt  }
0x6f: {  	_ =	shalt  }
0x70: {  	_ =	shalt  }
0x71: {  	_ =	shalt  }
0x72: {  	_ =	shalt  }
0x73: {  	_ =	shalt  }
0x74: {  	_ =	shalt  }
0x75: {  	_ =	shalt  }
0x76: {  	_ =	shalt  }
0x77: {  	_ =	shalt  }
0x78: {  	_ =	shalt  }
0x79: {  	_ =	shalt  }
0x7a: {  	_ =	shalt  }
0x7b: {  	_ =	shalt  }
0x7c: {  	_ =	shalt  }
0x7d: {  	_ =	shalt  }
0x7e: {  	_ =	shalt  }
0x7f: {  	_ =	shalt  }
0x80: {  	_ =	shalt  }
0x81: {  	_ =	shalt  }
0x82: {  	_ =	shalt  }
0x83: {  	_ =	shalt  }
0x84: {  	_ =	shalt  }
0x85: {  	_ =	shalt  }
0x86: {  	_ =	shalt  }
0x87: {  	_ =	shalt  }
.Lfunc_end0:
.L_simem_size_0:
called_computation_lowered:
.L_overlay_start_0:
0x88: {  	s2 =	sld [smem:$0x3FD9]  }
0x89: {  	s3 =	sld [smem:$0x3FFE];
	_ =	sdelay $0x1  }
0x8a: {  	s1 =	srdreg.scid  }
0x8b: {  	s0 =	sand.u32 $0x1, s1  }
0x8c: {  	s16 =	sshll.u32 s0, $0xA;
	s2 =	sadd.s32 s3, s2  }
0x8d: {  	s2 =	sadd.s32 s2, s16  }
0x8e: {  	[smem:$0x3FC4] =	sst s2  }
0x8f: {  	_ = 	snop  }
0x90: {  	(tm) =	ssettm $0x1  }
0x91: {  	s17 =	sld [smem:$0x3FFB];
	_ =	sdelay $0x3  }
0x92: {  	_ =	strace s17  }
0x93: {  	s2 =	sld [smem:$0x3FFC];
	_ =	sdelay $0x3  }
0x94: {  	_ =	strace s2  }
0x95: {  	s2 =	sld [smem:$0x3FFD];
	_ =	sdelay $0x3  }
0x96: {  	_ =	strace s2  }
0x97: {  	_ =	strace $0x8FFFFFFF  }
0x98: {  	s18 =	sld [smem:$0x3FDB];
	_ =	sdelay $0x1  }
0x99: {  	s19 =	simm.s32 $_scs_section_size  }
0x9a: {  	s4 =	simm.s32 $_size__tile_overlayer_lowered;
	s5 =	simm.s32 $_tile_overlayer_lowered  }
0x9b: {  	s22 =	simm.s32 $0x1BFF;
	s21 =	sshll.u32 s5, $0x1;
	s2 =	sadd.s32 s19, s18  }
0x9c: {  	s6 =	simm.s32 $0x0;
	s20 =	sshll.u32 s4, $0x1;
	s4 =	sadd.s32 s21, s2  }
0x9d: {  	[timem:s6], [sflag:s22] =	dma.local [hbm:s4], s20  }
0x9e: {  	_ =	swait.ge [sflag:s22], s20  }
0x9f: {  	s3 =	ssub.s32 $0x0, s20;
	[sflag:s22] =	ssyncset.done $0x0  }
0xa0: {  	[sflag:s22] =	ssyncadd.s32 s3;
	_ =	sdelay $0x1  }
0xa1: {  	s23 =	simm.s32 $0x1B8B  }
0xa2: {  	_ =	swait.ge [sflag:s23], $0x1  }
0xa3: {  	[sflag:s23] =	ssyncset.done $0x0  }
0xa4: {  	s25 =	simm.s32 $0x1B8E;
	s24 =	sld [smem:$0x3FFE];
	[sflag:s23] =	ssyncadd.s32 $0xFFFFFFFF  }
0xa5: {  	s26 =	simm.s32 $execute0_lowered;
	[smem:$0x3FD2] =	sst s25  }
0xa6: {  	s4 =	sshll.u32 s26, $0x1;
	_ =	strace $0x80000046;
	[dreg:$0x1] =	wrdreg $0xFFFFFFFF  }
0xa7: {  	s28 =	simm.s32 $_size_execute0_lowered;
	s2 =	sadd.s32 s2, s4;
	[dreg:$0x0] =	wrdreg $0x0  }
0xa8: {  	s4 =	sshll.u32 s28, $0x1;
	[dreg:$0x2] =	wrdreg s2  }
0xa9: {  	[dreg:$0x3] =	wrdreg s4  }
0xaa: {  	[dreg:$0x4] =	wrdreg $0xC0  }
0xab: {  	_ =	task [dreg:s6], $0x5FFFF  }
0xac: {  	[dreg:$0x1] =	wrdreg $0xFFFFFFFF  }
0xad: {  	[dreg:$0x0] =	wrdreg $0x60  }
0xae: {  	[dreg:$0x2] =	wrdreg s24  }
0xaf: {  	[dreg:$0x3] =	wrdreg $0x9  }
0xb0: {  	_ =	task.clear_ibuf [dreg:s6], $0x4FFFF;
	_ =	strace $0x90000046  }
0xb1: {  	s29 =	simm.s32 $0x9;
	_ =	strace $0x80000048  }
0xb2: {  	_ =	swait.ge [sflag:s29], $0x1  }
0xb3: {  	[sflag:s29] =	ssyncadd.s32 $0xFFFFFFFF  }
0xb4: {  	_ =	strace $0x90000048  }
0xb5: {  	_ =	sfence  }
0xb6: {  	s30 =	sld [smem:$0x0];
	_ =	sdelay $0x2  }
0xb7: {  	s31 =	sshll.u32 s1, $0xD;
	s1 =	sshrl.u32 s1, $0x2  }
0xb8: {  	s3 =	sand.u32 $0x4000, s31;
	s1 =	sadd.s32 s1, s30  }
0xb9: {  	s0 =	sor.u32 s3, s0;
	s1 =	sshll.u32 s1, $0x11  }
0xba: {  	s0 =	sor.u32 s1, s0  }
0xbb: {  	s0 =	sadd.s32 $0x8F2B, s0  }
0xbc: {  	[sflag:s0] =	ssyncadd.remote.s32 $0x1  }
0xbd: {  	_ =	sfence.sel $0xFFFF  }
0xbe: {  	[dreg:$0x0] =	wrdreg $0xFFFFFFFF;
	(pc) =	sbr.abs _section_cstart, $3  }
0xbf: {  	[dreg:$0x1] =	wrdreg $0xFFFFFFFF  }
0xc0: {  	_ =	task.clear_ibuf [dreg:s6], $0x2FFFF;
	_ =	strace $0x9FFFFFFF  }
0xc1: {  	(tm) =	ssettm $0x7FFFFFFF  }
tec
execute0_lowered:
.L_overlay_start_1:
0x0: {  	(tag) =	ssettag $0x1  }
0x1: {  	s1 =	srdreg.scid  }
0x2: {  	s0 =	stileid.u32;
	s4 =	rddreg [dreg:$0x0];
	s2 =	simm.s32 $0x0  }
0x3: {  	s9 =	simm.s32 $0x6800;
	s10 =	simm.s32 $0x68;
	s11 =	simm.s32 $0x7480  }
0x4: {  	s12 =	simm.s32 $0xD0;
	s13 =	simm.s32 $0x8100;
	s14 =	simm.s32 $0x138  }
0x5: {  	s15 =	simm.s32 $0x8D80;
	s16 =	simm.s32 $0x1;
	s17 =	simm.s32 $0x2  }
0x6: {  	s18 =	simm.s32 $0x3;
	s19 =	simm.s32 $0x4;
	s20 =	simm.s32 $0x9A00  }
0x7: {  	s3 =	sand.u32 $0x1, s1;
	s5 =	sshll.u32 s0, $0x1;
	s1 =	rddreg [dreg:$0x1]  }
0x8: {  	s21 =	simm.s32 $0x0;
	[smem:$0x7FF] =	sst s2;
	s5 =	sor.u32 s3, s5  }
.Ltmp0:
0x9: {  	_ =	strace $0x80000047;
	s7 =	ssub.s32 $0x2, s3;
	(pc) =	sbr.rel .LBB2_1-.Ltmp0, $4  }
0xa: {  	s6 =	smul.u32 $0xD00, s5;
	s5 =	sshll.u32 s5, $0x9;
	s8 =	sshrl.u32 s7, $0x1  }
0xb: {  	s3 =	sadd.s32 $0x1A800, s4;
	s5 =	sadd.s32 s5, s4;
	s7 =	ssub.s32 s7, s8  }
0xc: {  	s8 =	simm.s32 $0x64;
	s6 =	sadd.s32 s6, s4;
	s5 =	sadd.s32 $0xF5CC00, s5  }
0xd: {  	s4 =	sadd.s32 $0x800, s6;
	s6 =	smax.u32 s7, $0x1;
	s7 =	simm.s32 $0x5  }
.LBB2_12:
0xe: {  	s21 =	sadd.s32 $0x1, s21  }
0xf: {  	[tilespmem:s23+$0x9A20] =	vst v1;
	p0 =	sne.s32 s21, s6  }
.Ltmp1:
0x10: {  	[tilespmem:s23+$0x9A30] =	vst v0;
	(pc) =	sbr.rel @!p0 .LBB2_13-.Ltmp1, $4  }
0x11: {  	[hbm4b:s5+s2] =	stream.linear.scatter [tilespmem:s20], [sflag:$0x5], $0x1000, $0x38;
	[tilespmem:$0xAA00] =	vst v63  }
0x12: {  	_ =	swait.ge [sflag:s7], $0x1000  }
0x13: {  	[sflag:s7] =	ssyncset.done $0x0  }
0x14: {  	[sflag:s7] =	ssyncadd.s32 $0xFFFFF000  }
.LBB2_1:
0x15: {  	[tilespmem:s2], [sflag:$0x5] =	stream.linear.gather [hbm4b:s4+s2], $0x6800, $0x38;
	[tilespmem:$0xAA00] =	vst v63  }
0x16: {  	_ =	swait.ge [sflag:s7], $0x6800  }
0x17: {  	[sflag:s7] =	ssyncset.done $0x0  }
0x18: {  	[sflag:s7] =	ssyncadd.s32 $0xFFFF9800  }
0x19: {  	[tilespmem:s9], [sflag:$0x1] =	stream.indirect.gather [hbm4b:s3+s8], $0x20, s2, s8, $0xb8;
	[tilespmem:$0xAA00] =	vst v63  }
0x1a: {  	_ = 	snop  }
0x1b: {  	[tilespmem:s11], [sflag:$0x2] =	stream.indirect.gather [hbm4b:s3+s8], $0x20, s10, s8, $0xb8;
	[tilespmem:$0xAA00] =	vst v63  }
0x1c: {  	_ = 	snop  }
0x1d: {  	[tilespmem:s13], [sflag:$0x3] =	stream.indirect.gather [hbm4b:s3+s8], $0x20, s12, s8, $0xb8;
	[tilespmem:$0xAA00] =	vst v63  }
0x1e: {  	s22 =	simm.s32 $0x0  }
0x1f: {  	[tilespmem:s15], [sflag:$0x4] =	stream.indirect.gather [hbm4b:s3+s8], $0x20, s14, s8, $0xb8;
	[tilespmem:$0xAA00] =	vst v63  }
.LBB2_2:
0x20: {  	_ =	swait.ge [sflag:s16], $0xC80  }
0x21: {  	[sflag:s16] =	ssyncset.done $0x0  }
0x22: {  	s23 =	simm.s32 $0x0;
	[sflag:s16] =	ssyncadd.s32 $0xFFFFF380  }
0x23: {  	v1 =	vld [tilespmem:s23+$0x6860]  }
0x24: {  	v0 =	vld [tilespmem:s23+$0x6870]  }
0x25: {  	v2 =	vld [tilespmem:s23+$0x6820]  }
0x26: {  	v6 =	vimm.f32 $0.0e+00;
	v3 =	vld [tilespmem:s23+$0x6830]  }
0x27: {  	s24 =	simm.s32 $0x280;
	v8 =	vimm.f32 $0.0e+00;
	v5 =	vimm.f32 $0.0e+00;
	v4 =	vimm.f32 $0.0e+00;
	v7 =	vld [tilespmem:s23+$0x6800]  }
.LBB2_3:
0x28: {  	p0 =	sne.s32 s24, $0x2F80;
	v9 =	vld [tilespmem:s23+$0x6810];
	v10 =	vmov v1  }
0x29: {  	v11 =	vld [tilespmem:s23+$0x6840];
	v12 =	vmov v0  }
0x2a: {  	v13 =	vld [tilespmem:s23+$0x6850]  }
0x2b: {  	v14 =	vld [tilespmem:s23+$0x6880]  }
0x2c: {  	v15 =	vld [tilespmem:s23+$0x6890];
	s23 =	sshra.s32 s24, $0x2  }
.Ltmp2:
0x2d: {  	v6 =	vadd.f32 v7, v6;
	v1 =	vld [tilespmem:s23+$0x6860];
	v7 =	vadd.f32 v9, v8;
	(pc) =	sbr.rel @p0 .LBB2_3-.Ltmp2, $4  }
0x2e: {  	v5 =	vadd.f32 v2, v5;
	v4 =	vadd.f32 v3, v4;
	v0 =	vld [tilespmem:s23+$0x6870]  }
0x2f: {  	v6 =	vadd.f32 v11, v6;
	v2 =	vld [tilespmem:s23+$0x6820];
	v8 =	vadd.f32 v13, v7  }
0x30: {  	v5 =	vadd.f32 v10, v5;
	v4 =	vadd.f32 v12, v4;
	v3 =	vld [tilespmem:s23+$0x6830]  }
0x31: {  	s24 =	sadd.s32 $0x280, s24;
	v6 =	vadd.f32 v14, v6;
	v7 =	vld [tilespmem:s23+$0x6800];
	v8 =	vadd.f32 v15, v8  }
0x32: {  	v9 =	vld [tilespmem:s23+$0x6810];
	p0 =	seq.s32 s22, $0x3F  }
0x33: {  	v10 =	vld [tilespmem:s23+$0x6840];
	s24 =	smul.u32 @!p0 $0x680, s22  }
0x34: {  	v11 =	vld [tilespmem:s23+$0x6850]  }
0x35: {  	v12 =	vld [tilespmem:s23+$0x6880];
	s24 =	sshra.s32 @!p0 s24, $0x2  }
0x36: {  	v13 =	vld [tilespmem:s23+$0x6890];
	s25 =	simm.s32 @!p0 $0x64;
	s26 =	simm.s32 @!p0 $0x6800;
	s23 =	sadd.s32 @!p0 $0x1A0, s24  }
0x37: {  	[tilespmem:s26], [sflag:$0x1] =	stream.indirect.gather @!p0 [hbm4b:s3+s25], $0x20, s23, s25, $0xb8;
	[tilespmem:$0xAA00] =	vst v63  }
0x38: {  	v6 =	vadd.f32 v7, v6;
	_ =	swait.ge [sflag:s17], $0xC80  }
0x39: {  	v7 =	vadd.f32 v9, v8;
	[sflag:s17] =	ssyncset.done $0x0  }
0x3a: {  	v5 =	vadd.f32 v2, v5;
	s23 =	simm.s32 $0x0;
	v6 =	vadd.f32 v10, v6;
	[sflag:s17] =	ssyncadd.s32 $0xFFFFF380  }
0x3b: {  	v3 =	vadd.f32 v3, v4;
	v4 =	vadd.f32 v11, v7;
	v2 =	vld [tilespmem:s23+$0x74E0]  }
0x3c: {  	v5 =	vadd.f32 v1, v5;
	v6 =	vadd.f32 v12, v6;
	v1 =	vld [tilespmem:s23+$0x74F0]  }
0x3d: {  	v7 =	vadd.f32 v0, v3;
	v4 =	vadd.f32 v13, v4;
	v0 =	vld [tilespmem:s23+$0x74A0]  }
0x3e: {  	v3 =	vld [tilespmem:s23+$0x74B0];
	v6 =	vadd.f32 v5, v6  }
0x3f: {  	s25 =	simm.s32 $0x280;
	v8 =	vld [tilespmem:s23+$0x7480];
	v5 =	vimm.f32 $0.0e+00;
	v7 =	vadd.f32 v7, v4;
	v4 =	vimm.f32 $0.0e+00  }
.LBB2_5:
0x40: {  	p1 =	sne.s32 s25, $0x2F80;
	v9 =	vld [tilespmem:s23+$0x7490];
	v10 =	vmov v2  }
0x41: {  	v11 =	vld [tilespmem:s23+$0x74C0];
	v12 =	vmov v1  }
0x42: {  	v13 =	vld [tilespmem:s23+$0x74D0]  }
0x43: {  	v14 =	vld [tilespmem:s23+$0x7500]  }
0x44: {  	v15 =	vld [tilespmem:s23+$0x7510];
	s23 =	sshra.s32 s25, $0x2  }
.Ltmp3:
0x45: {  	v6 =	vadd.f32 v8, v6;
	v2 =	vld [tilespmem:s23+$0x74E0];
	v7 =	vadd.f32 v9, v7;
	(pc) =	sbr.rel @p1 .LBB2_5-.Ltmp3, $4  }
0x46: {  	v4 =	vadd.f32 v0, v4;
	v5 =	vadd.f32 v3, v5;
	v1 =	vld [tilespmem:s23+$0x74F0]  }
0x47: {  	v6 =	vadd.f32 v11, v6;
	v0 =	vld [tilespmem:s23+$0x74A0];
	v7 =	vadd.f32 v13, v7  }
0x48: {  	v4 =	vadd.f32 v10, v4;
	v5 =	vadd.f32 v12, v5;
	v3 =	vld [tilespmem:s23+$0x74B0]  }
0x49: {  	s25 =	sadd.s32 $0x280, s25;
	v6 =	vadd.f32 v14, v6;
	v8 =	vld [tilespmem:s23+$0x7480];
	v7 =	vadd.f32 v15, v7  }
0x4a: {  	v9 =	vld [tilespmem:s23+$0x7490]  }
0x4b: {  	v10 =	vld [tilespmem:s23+$0x74C0]  }
0x4c: {  	v11 =	vld [tilespmem:s23+$0x74D0]  }
0x4d: {  	v12 =	vld [tilespmem:s23+$0x7500]  }
0x4e: {  	v13 =	vld [tilespmem:s23+$0x7510];
	v6 =	vadd.f32 v8, v6  }
0x4f: {  	v7 =	vadd.f32 v9, v7  }
0x50: {  	v0 =	vadd.f32 v0, v4;
	v4 =	vadd.f32 v10, v6  }
0x51: {  	v3 =	vadd.f32 v3, v5;
	v5 =	vadd.f32 v11, v7  }
0x52: {  	s23 =	sadd.s32 @!p0 $0x208, s24;
	v0 =	vadd.f32 v2, v0;
	v2 =	vadd.f32 v12, v4  }
0x53: {  	s25 =	simm.s32 @!p0 $0x64;
	s26 =	simm.s32 @!p0 $0x7480;
	s31 =	sshll.u32 s22, $0x6;
	v1 =	vadd.f32 v1, v3;
	v3 =	vadd.f32 v13, v5  }
0x54: {  	[tilespmem:s26], [sflag:$0x2] =	stream.indirect.gather @!p0 [hbm4b:s3+s25], $0x20, s23, s25, $0xb8;
	v0 =	vadd.f32 v0, v2;
	[tilespmem:$0xAA00] =	vst v63  }
0x55: {  	s23 =	sand.u32 $0x3FFFFFC0, s31;
	v1 =	vadd.f32 v1, v3  }
0x56: {  	[tilespmem:s23+$0x9A00] =	vst v0  }
0x57: {  	[tilespmem:s23+$0x9A10] =	vst v1  }
0x58: {  	_ =	swait.ge [sflag:s18], $0xC80  }
0x59: {  	[sflag:s18] =	ssyncset.done $0x0  }
0x5a: {  	s25 =	simm.s32 $0x0;
	[sflag:s18] =	ssyncadd.s32 $0xFFFFF380  }
0x5b: {  	v1 =	vld [tilespmem:s25+$0x8160]  }
0x5c: {  	v0 =	vld [tilespmem:s25+$0x8170]  }
0x5d: {  	v2 =	vld [tilespmem:s25+$0x8120]  }
0x5e: {  	v8 =	vimm.f32 $0.0e+00;
	v3 =	vld [tilespmem:s25+$0x8130]  }
0x5f: {  	s26 =	simm.s32 $0x280;
	v6 =	vimm.f32 $0.0e+00;
	v4 =	vimm.f32 $0.0e+00;
	v5 =	vimm.f32 $0.0e+00;
	v7 =	vld [tilespmem:s25+$0x8100]  }
.LBB2_7:
0x60: {  	p1 =	sne.s32 s26, $0x2F80;
	v9 =	vld [tilespmem:s25+$0x8110];
	v10 =	vmov v1  }
0x61: {  	v11 =	vld [tilespmem:s25+$0x8140];
	v12 =	vmov v0  }
0x62: {  	v13 =	vld [tilespmem:s25+$0x8150]  }
0x63: {  	v14 =	vld [tilespmem:s25+$0x8180]  }
0x64: {  	v15 =	vld [tilespmem:s25+$0x8190];
	s25 =	sshra.s32 s26, $0x2  }
.Ltmp4:
0x65: {  	v6 =	vadd.f32 v7, v6;
	v1 =	vld [tilespmem:s25+$0x8160];
	v7 =	vadd.f32 v9, v8;
	(pc) =	sbr.rel @p1 .LBB2_7-.Ltmp4, $4  }
0x66: {  	v5 =	vadd.f32 v2, v5;
	v4 =	vadd.f32 v3, v4;
	v0 =	vld [tilespmem:s25+$0x8170]  }
0x67: {  	v6 =	vadd.f32 v11, v6;
	v2 =	vld [tilespmem:s25+$0x8120];
	v8 =	vadd.f32 v13, v7  }
0x68: {  	v5 =	vadd.f32 v10, v5;
	v4 =	vadd.f32 v12, v4;
	v3 =	vld [tilespmem:s25+$0x8130]  }
0x69: {  	s26 =	sadd.s32 $0x280, s26;
	v6 =	vadd.f32 v14, v6;
	v7 =	vld [tilespmem:s25+$0x8100];
	v8 =	vadd.f32 v15, v8  }
0x6a: {  	v9 =	vld [tilespmem:s25+$0x8110]  }
0x6b: {  	v10 =	vld [tilespmem:s25+$0x8140]  }
0x6c: {  	v11 =	vld [tilespmem:s25+$0x8150]  }
0x6d: {  	v12 =	vld [tilespmem:s25+$0x8180]  }
0x6e: {  	v13 =	vld [tilespmem:s25+$0x8190];
	s24 =	sadd.s32 @!p0 $0x270, s24;
	s25 =	simm.s32 @!p0 $0x64;
	s26 =	simm.s32 @!p0 $0x8100  }
0x6f: {  	[tilespmem:s26], [sflag:$0x3] =	stream.indirect.gather @!p0 [hbm4b:s3+s25], $0x20, s24, s25, $0xb8;
	[tilespmem:$0xAA00] =	vst v63  }
0x70: {  	_ =	swait.ge [sflag:s19], $0xC80;
	v6 =	vadd.f32 v7, v6  }
0x71: {  	[sflag:s19] =	ssyncset.done $0x0;
	v7 =	vadd.f32 v9, v8  }
0x72: {  	s24 =	simm.s32 $0x0;
	v5 =	vadd.f32 v2, v5;
	[sflag:s19] =	ssyncadd.s32 $0xFFFFF380;
	v6 =	vadd.f32 v10, v6  }
0x73: {  	v3 =	vadd.f32 v3, v4;
	v2 =	vld [tilespmem:s24+$0x8DE0];
	v4 =	vadd.f32 v11, v7  }
0x74: {  	v5 =	vadd.f32 v1, v5;
	v1 =	vld [tilespmem:s24+$0x8DF0];
	v6 =	vadd.f32 v12, v6  }
0x75: {  	v8 =	vld [tilespmem:s24+$0x8D80];
	v7 =	vadd.f32 v0, v3;
	v4 =	vadd.f32 v13, v4  }
0x76: {  	v0 =	vld [tilespmem:s24+$0x8DA0];
	v6 =	vadd.f32 v5, v6  }
0x77: {  	s25 =	simm.s32 $0x280;
	v3 =	vld [tilespmem:s24+$0x8DB0];
	v5 =	vimm.f32 $0.0e+00;
	v7 =	vadd.f32 v7, v4;
	v4 =	vimm.f32 $0.0e+00  }
.LBB2_9:
0x78: {  	p1 =	sne.s32 s25, $0x2F80;
	v9 =	vld [tilespmem:s24+$0x8D90];
	v10 =	vmov v2  }
0x79: {  	v11 =	vld [tilespmem:s24+$0x8DC0];
	v12 =	vmov v1  }
0x7a: {  	v13 =	vld [tilespmem:s24+$0x8DD0]  }
0x7b: {  	v14 =	vld [tilespmem:s24+$0x8E00]  }
0x7c: {  	v15 =	vld [tilespmem:s24+$0x8E10];
	s24 =	sshra.s32 s25, $0x2  }
.Ltmp5:
0x7d: {  	v6 =	vadd.f32 v8, v6;
	v2 =	vld [tilespmem:s24+$0x8DE0];
	v7 =	vadd.f32 v9, v7;
	(pc) =	sbr.rel @p1 .LBB2_9-.Ltmp5, $4  }
0x7e: {  	v4 =	vadd.f32 v0, v4;
	v5 =	vadd.f32 v3, v5;
	v1 =	vld [tilespmem:s24+$0x8DF0]  }
0x7f: {  	v6 =	vadd.f32 v11, v6;
	v0 =	vld [tilespmem:s24+$0x8DA0];
	v7 =	vadd.f32 v13, v7  }
0x80: {  	v4 =	vadd.f32 v10, v4;
	v5 =	vadd.f32 v12, v5;
	v3 =	vld [tilespmem:s24+$0x8DB0]  }
0x81: {  	s25 =	sadd.s32 $0x280, s25;
	v6 =	vadd.f32 v14, v6;
	v8 =	vld [tilespmem:s24+$0x8D80];
	v7 =	vadd.f32 v15, v7  }
0x82: {  	v9 =	vld [tilespmem:s24+$0x8D90]  }
0x83: {  	v10 =	vld [tilespmem:s24+$0x8DC0]  }
0x84: {  	v11 =	vld [tilespmem:s24+$0x8DD0]  }
0x85: {  	v12 =	vld [tilespmem:s24+$0x8E00]  }
0x86: {  	v13 =	vld [tilespmem:s24+$0x8E10]  }
0x87: {  	v6 =	vadd.f32 v8, v6;
	v7 =	vadd.f32 v9, v7  }
0x88: {  	v0 =	vadd.f32 v0, v4;
	v3 =	vadd.f32 v3, v5  }
.Ltmp6:
0x89: {  	v62 =	vadd.f32 v10, v6;
	v63 =	vadd.f32 v11, v7;
	(pc) =	sbr.rel @p0 .LBB2_12-.Ltmp6, $3  }
0x8a: {  	v0 =	vadd.f32 v2, v0;
	v2 =	vadd.f32 v1, v3  }
0x8b: {  	v1 =	vadd.f32 v12, v62;
	v3 =	vadd.f32 v13, v63;
	_ =	sdelay $0x1  }
0x8c: {  	v1 =	vadd.f32 v0, v1;
	v0 =	vadd.f32 v2, v3  }
0x8d: {  	s24 =	smul.u32 $0x680, s22;
	_ =	sdelay $0x1  }
.Ltmp7:
0x8e: {  	s24 =	sshra.s32 s24, $0x2;
	(pc) =	sbr.rel .LBB2_2-.Ltmp7, $4  }
0x8f: {  	s24 =	sadd.s32 $0x2D8, s24  }
0x90: {  	[tilespmem:s15], [sflag:$0x4] =	stream.indirect.gather [hbm4b:s3+s8], $0x20, s24, s8, $0xb8;
	[tilespmem:$0xAA00] =	vst v63  }
0x91: {  	[tilespmem:s23+$0x9A20] =	vst v1  }
0x92: {  	s22 =	sadd.s32 $0x1, s22;
	[tilespmem:s23+$0x9A30] =	vst v0  }
.LBB2_13:
0x93: {  	_ =	sfence.sel $0x180000  }
0x94: {  	[bflag:$0x0] =	sbarrier.arrive $0xFFFF  }
0x95: {  	p0 =	sne.s32 s0, $0x0;
	_ =	strace $0x90000047  }
0x96: {  	s0 =	sadd.s32 @!p0 $0x100000, s1;
	[bflag:$0x2] =	sbarrier.arrive $0xFFFF  }
0x97: {  	[sflag:s0] =	ssyncadd.tile.s32 @!p0 $0x1;
	_ =	shalt  }
.Lfunc_end2:
_tile_overlayer_lowered:
.L_overlay_start_2:
0x98: {  	(tag) =	ssettag $0x2  }
0x99: {  	s0 =	rddreg [dreg:$0x0];
	s2 =	stileid.u32  }
0x9a: {  	s1 =	rddreg [dreg:$0x1];
	p0 =	sne.s32 s2, $0x0  }
0x9b: {  	s3 =	rddreg [dreg:$0x2];
	[bflag:$0x3] =	sbarrier.arrive $0xFFFF;
	s2 =	simm.s32 @!p0 $0x1C05  }
0x9c: {  	[timem:s3], [sflag:s2] =	dma.local @!p0 [hbm:s0], s1  }
0x9d: {  	s0 =	simm.s32 @!p0 $0x5  }
0x9e: {  	_ =	swait.ge @!p0 [sflag:s0], s1  }
0x9f: {  	s1 =	ssub.s32 @!p0 $0x0, s1;
	[sflag:s0] =	ssyncset.done @!p0 $0x0  }
0xa0: {  	[sflag:s0] =	ssyncadd.s32 @!p0 s1  }
0xa1: {  	[bflag:$0x3] =	sbarrier.arrive $0xFFFF  }
0xa2: {  	_ =	shalt  }

</sc_bundles>
